<compile_context>
chip_gen: v7x
topology: tpu7x:2x2x1
jax: 0.10.2.dev20260603
libtpu: 0.0.44.dev20260713+nightly
codegen_flags: <defaults>
</compile_context>

<pallas_src>
import jax
import jax.numpy as jnp
from jax import lax
from jax.experimental import pallas as pl
from jax.experimental.pallas import tpu as pltpu
from jax.experimental.pallas import tpu_sc as plsc

_NUM_ENTITY = 1000000
_EMBED = 64
_HIDDEN = 128
_OUT = 1
_BATCH = 16384

_TBLK = 32768
_QBLK = _TBLK // 4
_NBLK = pl.cdiv(_NUM_ENTITY, _TBLK)
_ROWS = _NBLK * _QBLK
_ESH = 15

_NC = 2
_NS = 16
_NW = _NC * _NS
_B_PER_W = _BATCH // _NW
_CHUNK = 128
_NCHUNK = _B_PER_W // _CHUNK
_L = 16


def _pack_body(x_ref, o_ref):
    xb = x_ref[...].astype(jnp.bfloat16)
    xt = xb.T
    w = pltpu.bitcast(xt, jnp.int32)
    o_ref[:, 0:_EMBED] = w[0:_QBLK, :]
    o_ref[:, _EMBED:2 * _EMBED] = w[_QBLK:2 * _QBLK, :]


def _tc_pack(embed):
    return pl.pallas_call(
        _pack_body,
        grid=(_NBLK,),
        in_specs=[pl.BlockSpec((_EMBED, _TBLK), lambda i: (0, i))],
        out_specs=pl.BlockSpec((_QBLK, 2 * _EMBED), lambda i: (i, 0)),
        out_shape=jax.ShapeDtypeStruct((_ROWS, 2 * _EMBED), jnp.int32),
        compiler_params=pltpu.CompilerParams(
            vmem_limit_bytes=100_000_000,
        ),
    )(embed.T)


def _gather_body(table_hbm, idx_hbm, out_hbm, idx_v, rows_v, sem):
    wid = lax.axis_index("s") * _NC + lax.axis_index("c")
    base = wid * _B_PER_W
    pltpu.sync_copy(idx_hbm.at[pl.ds(base, _B_PER_W)], idx_v)
    for k in range(_B_PER_W // _L):
        e = idx_v[pl.ds(k * _L, _L)]
        idx_v[pl.ds(k * _L, _L)] = (
            ((e >> _ESH) << (_ESH - 2)) + ((e & (_TBLK // 2 - 1)) >> 1)
        )
    copies = []
    for j in range(_NCHUNK):
        copies.append(
            pltpu.async_copy(
                table_hbm.at[idx_v.at[pl.ds(j * _CHUNK, _CHUNK)]],
                rows_v.at[pl.ds(j * _CHUNK, _CHUNK)],
                sem,
            )
        )
    for j, c in enumerate(copies):
        c.wait()
        pltpu.sync_copy(
            rows_v.at[pl.ds(j * _CHUNK, _CHUNK)],
            out_hbm.at[pl.ds(base + j * _CHUNK, _CHUNK)],
        )


def _sc_gather(table, batch):
    mesh = plsc.VectorSubcoreMesh(core_axis_name="c", subcore_axis_name="s")
    k = pl.kernel(
        _gather_body,
        mesh=mesh,
        out_type=jax.ShapeDtypeStruct((_BATCH, 2 * _EMBED), jnp.int32),
        scratch_types=[
            pltpu.VMEM((_B_PER_W,), jnp.int32),
            pltpu.VMEM((_B_PER_W, 2 * _EMBED), jnp.int32),
            pltpu.SemaphoreType.DMA,
        ],
    )
    return k(table, batch)


_BLK = 4096


def _mlp_body(x_ref, b_ref, w1_ref, b1_ref, w2_ref, b2_ref, o_ref):
    xw = lax.bitcast_convert_type(x_ref[...], jnp.uint32)
    b = b_ref[...]
    hf = (b >> (_ESH - 1)) & 1
    s = b & 1
    wsel = jnp.where(hf == 1, xw[:, _EMBED:2 * _EMBED], xw[:, 0:_EMBED])
    bits = jnp.where(s == 1, wsel >> 16, wsel & 0xFFFF)
    xv = lax.bitcast_convert_type(
        bits.astype(jnp.uint16), jnp.bfloat16
    ).astype(jnp.float32)
    h = jnp.dot(xv, w1_ref[...], preferred_element_type=jnp.float32)
    h = jnp.maximum(h + b1_ref[...], 0.0)
    o_ref[...] = (
        jnp.sum(h * w2_ref[...], axis=1, keepdims=True) + b2_ref[...]
    )


def _tc_mlp(x, batch, W1, b1, W2, b2):
    b2d = batch.reshape(_BATCH, 1)
    b1r = b1.reshape(1, _HIDDEN)
    w2r = W2.reshape(1, _HIDDEN)
    b2r = b2.reshape(1, 1)
    return pl.pallas_call(
        _mlp_body,
        grid=(_BATCH // _BLK,),
        in_specs=[
            pl.BlockSpec((_BLK, 2 * _EMBED), lambda i: (i, 0)),
            pl.BlockSpec((_BLK, 1), lambda i: (i, 0)),
            pl.BlockSpec((_EMBED, _HIDDEN), lambda i: (0, 0)),
            pl.BlockSpec((1, _HIDDEN), lambda i: (0, 0)),
            pl.BlockSpec((1, _HIDDEN), lambda i: (0, 0)),
            pl.BlockSpec((1, 1), lambda i: (0, 0)),
        ],
        out_specs=pl.BlockSpec((_BLK, _OUT), lambda i: (i, 0)),
        out_shape=jax.ShapeDtypeStruct((_BATCH, _OUT), jnp.float32),
    )(x, b2d, W1, b1r, w2r, b2r)


def kernel(batch, embed, W1, b1, W2, b2):
    table = _tc_pack(embed)
    x = _sc_gather(table, batch)
    return _tc_mlp(x, batch, W1, b1, W2, b2)

# --- scband reference (transcript-rebuilt; emitter-appended) ---
"""Pipeline reference for scband-embedding-trainer-55954833933125 (READ-ONLY COPY).

The authoritative reference and input builder live on the scoring server;
editing this copy changes nothing except your own understanding.
"""

import jax, jax.numpy as jnp
import numpy as np

NUM_ENTITY = 1000000
EMBED_SIZE = 64
HIDDEN = 128
OUT = 1
BATCH = 16384


def setup_inputs(seed: int = 0) -> dict:
    key = jax.random.key(seed)
    k_idx, k_emb, k_w1, k_b1, k_w2, k_b2 = jax.random.split(key, 6)
    batch = jax.random.randint(k_idx, (BATCH,), 0, NUM_ENTITY, dtype=jnp.int64 if jax.config.jax_enable_x64 else jnp.int32).astype(jnp.int32)
    embed = jax.random.normal(k_emb, (NUM_ENTITY, EMBED_SIZE), dtype=jnp.float32)
    # torch.nn.Linear default init: U(-1/sqrt(fan_in), 1/sqrt(fan_in))
    lim1 = 1.0 / np.sqrt(EMBED_SIZE)
    W1 = jax.random.uniform(k_w1, (EMBED_SIZE, HIDDEN), minval=-lim1, maxval=lim1, dtype=jnp.float32)
    b1 = jax.random.uniform(k_b1, (HIDDEN,), minval=-lim1, maxval=lim1, dtype=jnp.float32)
    lim2 = 1.0 / np.sqrt(HIDDEN)
    W2 = jax.random.uniform(k_w2, (HIDDEN, OUT), minval=-lim2, maxval=lim2, dtype=jnp.float32)
    b2 = jax.random.uniform(k_b2, (OUT,), minval=-lim2, maxval=lim2, dtype=jnp.float32)
    return {"batch": batch, "embed": embed, "W1": W1, "b1": b1, "W2": W2, "b2": b2}


def reference(batch, embed, W1, b1, W2, b2):
    # nn.Embedding lookup
    x = jnp.take(embed, batch, axis=0)
    # classifier: Linear -> ReLU -> Linear
    h = jax.nn.relu(jnp.dot(x, W1) + b1)
    out = jnp.dot(h, W2) + b2
    return out

if __name__ == "__main__":
    import jax
    _d = setup_inputs()
    print(jax.jit(kernel)(*tuple(_d.values())))

</pallas_src>

<mosaic_0001>
#map = affine_map<(d0, d1) -> (0, 0)>
#map1 = affine_map<(d0, d1) -> (0)>
module attributes {stable_mosaic.version = 14 : i64} {
  func.func @_gather_body(%arg0: i32, %arg1: i32, %arg2: memref<253952x128xi32, #tpu.memory_space<hbm>>, %arg3: memref<16384xi32, #tpu.memory_space<hbm>>, %arg4: memref<16384x128xi32, #tpu.memory_space<hbm>>, %arg5: memref<512xi32, #tpu.memory_space<vmem>>, %arg6: memref<512x128xi32, #tpu.memory_space<vmem>>, %arg7: memref<!tpu.dma_semaphore, #tpu.memory_space<semaphore_mem>>) attributes {dimension_semantics = [#tpu.dimension_semantics<core_parallel>, #tpu.dimension_semantics<subcore_parallel>], iteration_bounds = array<i64: 2, 16>, scalar_prefetch = 0 : i64, scratch_operands = 3 : i64, tpu.core_type = #tpu.core_type<sc_vector_subcore>, window_params = [{transform_indices = #map}, {transform_indices = #map1}, {transform_indices = #map}]} {
    %mul3A = arith.constant 2 : i32
    %mul3A_0 = arith.muli %arg1, %mul3A : i32
    %add3A = arith.addi %mul3A_0, %arg0 : i32
    %mul3A_1 = arith.constant 512 : i32
    %mul3A_2 = arith.muli %add3A, %mul3A_1 : i32
    "tpu.region"() ({
      %run_scoped3A = tpu.sem_alloc : memref<!tpu.dma_semaphore, #tpu.memory_space<semaphore_mem>>
      %dma_start3A_708 = tpu.memref_slice %arg3[%mul3A_2] : memref<16384xi32, #tpu.memory_space<hbm>> -> memref<512xi32, #tpu.memory_space<hbm>>
      %dma_start3A_709 = tpu.memref_slice %arg3[%mul3A_2] : memref<16384xi32, #tpu.memory_space<hbm>> -> memref<512xi32, #tpu.memory_space<hbm>>
      tpu.enqueue_dma source(%dma_start3A_709 : memref<512xi32, #tpu.memory_space<hbm>>) target(%arg5 : memref<512xi32, #tpu.memory_space<vmem>>) target_semaphore(%run_scoped3A : memref<!tpu.dma_semaphore, #tpu.memory_space<semaphore_mem>>)
      %dma_wait3A_710 = tpu.memref_slice %arg3[%mul3A_2] : memref<16384xi32, #tpu.memory_space<hbm>> -> memref<512xi32, #tpu.memory_space<hbm>>
      %dma_wait3A_711 = tpu.memref_slice %arg3[%mul3A_2] : memref<16384xi32, #tpu.memory_space<hbm>> -> memref<512xi32, #tpu.memory_space<hbm>>
      tpu.wait_dma2 semaphore(%run_scoped3A : memref<!tpu.dma_semaphore, #tpu.memory_space<semaphore_mem>>) src(%dma_wait3A_711 : memref<512xi32, #tpu.memory_space<hbm>>) dst(%arg5 : memref<512xi32, #tpu.memory_space<vmem>>)
      tpu.yield
    }) : () -> ()
    %get3A = arith.constant 0 : index
    %get3A_3 = tpu.vector_load %arg5[%get3A] {strides = array<i32>} : memref<512xi32, #tpu.memory_space<vmem>>, vector<16xi32>,
    %get3A_4 = vector.shape_cast %get3A_3 : vector<16xi32> to vector<16xi32>
    %shift_right_arithmetic3A = arith.constant 15 : i32
    %shift_right_arithmetic3A_5 = vector.broadcast %shift_right_arithmetic3A : i32 to vector<16xi32>
    %shift_right_arithmetic3A_6 = arith.shrsi %get3A_4, %shift_right_arithmetic3A_5 : vector<16xi32>
    %shift_left3A = arith.constant 13 : i32
    %shift_left3A_7 = vector.broadcast %shift_left3A : i32 to vector<16xi32>
    %shift_left3A_8 = arith.shli %shift_right_arithmetic3A_6, %shift_left3A_7 : vector<16xi32>
    %and3A = arith.constant 16383 : i32
    %and3A_9 = vector.broadcast %and3A : i32 to vector<16xi32>
    %and3A_10 = arith.andi %get3A_4, %and3A_9 : vector<16xi32>
    %shift_right_arithmetic3A_11 = arith.constant 1 : i32
    %shift_right_arithmetic3A_12 = vector.broadcast %shift_right_arithmetic3A_11 : i32 to vector<16xi32>
    %shift_right_arithmetic3A_13 = arith.shrsi %and3A_10, %shift_right_arithmetic3A_12 : vector<16xi32>
    %add3A_14 = arith.addi %shift_left3A_8, %shift_right_arithmetic3A_13 : vector<16xi32>
    %swap3A = arith.constant 0 : index
    %swap3A_15 = tpu.vector_load %arg5[%swap3A] {strides = array<i32>} : memref<512xi32, #tpu.memory_space<vmem>>, vector<16xi32>,
    %swap3A_16 = vector.shape_cast %swap3A_15 : vector<16xi32> to vector<16xi32>
    %swap3A_17 = vector.shape_cast %add3A_14 : vector<16xi32> to vector<16xi32>
    tpu.vector_store %arg5[%swap3A], %swap3A_17 {strides = array<i32>} : memref<512xi32, #tpu.memory_space<vmem>>, vector<16xi32>,
    %get3A_18 = arith.constant 16 : index
    %get3A_19 = tpu.vector_load %arg5[%get3A_18] {strides = array<i32>} : memref<512xi32, #tpu.memory_space<vmem>>, vector<16xi32>,
    %get3A_20 = vector.shape_cast %get3A_19 : vector<16xi32> to vector<16xi32>
    %shift_right_arithmetic3A_21 = arith.constant 15 : i32
    %shift_right_arithmetic3A_22 = vector.broadcast %shift_right_arithmetic3A_21 : i32 to vector<16xi32>
    %shift_right_arithmetic3A_23 = arith.shrsi %get3A_20, %shift_right_arithmetic3A_22 : vector<16xi32>
    %shift_left3A_24 = arith.constant 13 : i32
    %shift_left3A_25 = vector.broadcast %shift_left3A_24 : i32 to vector<16xi32>
    %shift_left3A_26 = arith.shli %shift_right_arithmetic3A_23, %shift_left3A_25 : vector<16xi32>
    %and3A_27 = arith.constant 16383 : i32
    %and3A_28 = vector.broadcast %and3A_27 : i32 to vector<16xi32>
    %and3A_29 = arith.andi %get3A_20, %and3A_28 : vector<16xi32>
    %shift_right_arithmetic3A_30 = arith.constant 1 : i32
    %shift_right_arithmetic3A_31 = vector.broadcast %shift_right_arithmetic3A_30 : i32 to vector<16xi32>
    %shift_right_arithmetic3A_32 = arith.shrsi %and3A_29, %shift_right_arithmetic3A_31 : vector<16xi32>
    %add3A_33 = arith.addi %shift_left3A_26, %shift_right_arithmetic3A_32 : vector<16xi32>
    %swap3A_34 = arith.constant 16 : index
    %swap3A_35 = tpu.vector_load %arg5[%swap3A_34] {strides = array<i32>} : memref<512xi32, #tpu.memory_space<vmem>>, vector<16xi32>,
    %swap3A_36 = vector.shape_cast %swap3A_35 : vector<16xi32> to vector<16xi32>
    %swap3A_37 = vector.shape_cast %add3A_33 : vector<16xi32> to vector<16xi32>
    tpu.vector_store %arg5[%swap3A_34], %swap3A_37 {strides = array<i32>} : memref<512xi32, #tpu.memory_space<vmem>>, vector<16xi32>,
    %get3A_38 = arith.constant 32 : index
    %get3A_39 = tpu.vector_load %arg5[%get3A_38] {strides = array<i32>} : memref<512xi32, #tpu.memory_space<vmem>>, vector<16xi32>,
    %get3A_40 = vector.shape_cast %get3A_39 : vector<16xi32> to vector<16xi32>
    %shift_right_arithmetic3A_41 = arith.constant 15 : i32
    %shift_right_arithmetic3A_42 = vector.broadcast %shift_right_arithmetic3A_41 : i32 to vector<16xi32>
    %shift_right_arithmetic3A_43 = arith.shrsi %get3A_40, %shift_right_arithmetic3A_42 : vector<16xi32>
    %shift_left3A_44 = arith.constant 13 : i32
    %shift_left3A_45 = vector.broadcast %shift_left3A_44 : i32 to vector<16xi32>
    %shift_left3A_46 = arith.shli %shift_right_arithmetic3A_43, %shift_left3A_45 : vector<16xi32>
    %and3A_47 = arith.constant 16383 : i32
    %and3A_48 = vector.broadcast %and3A_47 : i32 to vector<16xi32>
    %and3A_49 = arith.andi %get3A_40, %and3A_48 : vector<16xi32>
    %shift_right_arithmetic3A_50 = arith.constant 1 : i32
    %shift_right_arithmetic3A_51 = vector.broadcast %shift_right_arithmetic3A_50 : i32 to vector<16xi32>
    %shift_right_arithmetic3A_52 = arith.shrsi %and3A_49, %shift_right_arithmetic3A_51 : vector<16xi32>
    %add3A_53 = arith.addi %shift_left3A_46, %shift_right_arithmetic3A_52 : vector<16xi32>
    %swap3A_54 = arith.constant 32 : index
    %swap3A_55 = tpu.vector_load %arg5[%swap3A_54] {strides = array<i32>} : memref<512xi32, #tpu.memory_space<vmem>>, vector<16xi32>,
    %swap3A_56 = vector.shape_cast %swap3A_55 : vector<16xi32> to vector<16xi32>
    %swap3A_57 = vector.shape_cast %add3A_53 : vector<16xi32> to vector<16xi32>
    tpu.vector_store %arg5[%swap3A_54], %swap3A_57 {strides = array<i32>} : memref<512xi32, #tpu.memory_space<vmem>>, vector<16xi32>,
    %get3A_58 = arith.constant 48 : index
    %get3A_59 = tpu.vector_load %arg5[%get3A_58] {strides = array<i32>} : memref<512xi32, #tpu.memory_space<vmem>>, vector<16xi32>,
    %get3A_60 = vector.shape_cast %get3A_59 : vector<16xi32> to vector<16xi32>
    %shift_right_arithmetic3A_61 = arith.constant 15 : i32
    %shift_right_arithmetic3A_62 = vector.broadcast %shift_right_arithmetic3A_61 : i32 to vector<16xi32>
    %shift_right_arithmetic3A_63 = arith.shrsi %get3A_60, %shift_right_arithmetic3A_62 : vector<16xi32>
    %shift_left3A_64 = arith.constant 13 : i32
    %shift_left3A_65 = vector.broadcast %shift_left3A_64 : i32 to vector<16xi32>
    %shift_left3A_66 = arith.shli %shift_right_arithmetic3A_63, %shift_left3A_65 : vector<16xi32>
    %and3A_67 = arith.constant 16383 : i32
    %and3A_68 = vector.broadcast %and3A_67 : i32 to vector<16xi32>
    %and3A_69 = arith.andi %get3A_60, %and3A_68 : vector<16xi32>
    %shift_right_arithmetic3A_70 = arith.constant 1 : i32
    %shift_right_arithmetic3A_71 = vector.broadcast %shift_right_arithmetic3A_70 : i32 to vector<16xi32>
    %shift_right_arithmetic3A_72 = arith.shrsi %and3A_69, %shift_right_arithmetic3A_71 : vector<16xi32>
    %add3A_73 = arith.addi %shift_left3A_66, %shift_right_arithmetic3A_72 : vector<16xi32>
    %swap3A_74 = arith.constant 48 : index
    %swap3A_75 = tpu.vector_load %arg5[%swap3A_74] {strides = array<i32>} : memref<512xi32, #tpu.memory_space<vmem>>, vector<16xi32>,
    %swap3A_76 = vector.shape_cast %swap3A_75 : vector<16xi32> to vector<16xi32>
    %swap3A_77 = vector.shape_cast %add3A_73 : vector<16xi32> to vector<16xi32>
    tpu.vector_store %arg5[%swap3A_74], %swap3A_77 {strides = array<i32>} : memref<512xi32, #tpu.memory_space<vmem>>, vector<16xi32>,
    %get3A_78 = arith.constant 64 : index
    %get3A_79 = tpu.vector_load %arg5[%get3A_78] {strides = array<i32>} : memref<512xi32, #tpu.memory_space<vmem>>, vector<16xi32>,
    %get3A_80 = vector.shape_cast %get3A_79 : vector<16xi32> to vector<16xi32>
    %shift_right_arithmetic3A_81 = arith.constant 15 : i32
    %shift_right_arithmetic3A_82 = vector.broadcast %shift_right_arithmetic3A_81 : i32 to vector<16xi32>
    %shift_right_arithmetic3A_83 = arith.shrsi %get3A_80, %shift_right_arithmetic3A_82 : vector<16xi32>
    %shift_left3A_84 = arith.constant 13 : i32
    %shift_left3A_85 = vector.broadcast %shift_left3A_84 : i32 to vector<16xi32>
    %shift_left3A_86 = arith.shli %shift_right_arithmetic3A_83, %shift_left3A_85 : vector<16xi32>
    %and3A_87 = arith.constant 16383 : i32
    %and3A_88 = vector.broadcast %and3A_87 : i32 to vector<16xi32>
    %and3A_89 = arith.andi %get3A_80, %and3A_88 : vector<16xi32>
    %shift_right_arithmetic3A_90 = arith.constant 1 : i32
    %shift_right_arithmetic3A_91 = vector.broadcast %shift_right_arithmetic3A_90 : i32 to vector<16xi32>
    %shift_right_arithmetic3A_92 = arith.shrsi %and3A_89, %shift_right_arithmetic3A_91 : vector<16xi32>
    %add3A_93 = arith.addi %shift_left3A_86, %shift_right_arithmetic3A_92 : vector<16xi32>
    %swap3A_94 = arith.constant 64 : index
    %swap3A_95 = tpu.vector_load %arg5[%swap3A_94] {strides = array<i32>} : memref<512xi32, #tpu.memory_space<vmem>>, vector<16xi32>,
    %swap3A_96 = vector.shape_cast %swap3A_95 : vector<16xi32> to vector<16xi32>
    %swap3A_97 = vector.shape_cast %add3A_93 : vector<16xi32> to vector<16xi32>
    tpu.vector_store %arg5[%swap3A_94], %swap3A_97 {strides = array<i32>} : memref<512xi32, #tpu.memory_space<vmem>>, vector<16xi32>,
    %get3A_98 = arith.constant 80 : index
    %get3A_99 = tpu.vector_load %arg5[%get3A_98] {strides = array<i32>} : memref<512xi32, #tpu.memory_space<vmem>>, vector<16xi32>,
    %get3A_100 = vector.shape_cast %get3A_99 : vector<16xi32> to vector<16xi32>
    %shift_right_arithmetic3A_101 = arith.constant 15 : i32
    %shift_right_arithmetic3A_102 = vector.broadcast %shift_right_arithmetic3A_101 : i32 to vector<16xi32>
    %shift_right_arithmetic3A_103 = arith.shrsi %get3A_100, %shift_right_arithmetic3A_102 : vector<16xi32>
    %shift_left3A_104 = arith.constant 13 : i32
    %shift_left3A_105 = vector.broadcast %shift_left3A_104 : i32 to vector<16xi32>
    %shift_left3A_106 = arith.shli %shift_right_arithmetic3A_103, %shift_left3A_105 : vector<16xi32>
    %and3A_107 = arith.constant 16383 : i32
    %and3A_108 = vector.broadcast %and3A_107 : i32 to vector<16xi32>
    %and3A_109 = arith.andi %get3A_100, %and3A_108 : vector<16xi32>
    %shift_right_arithmetic3A_110 = arith.constant 1 : i32
    %shift_right_arithmetic3A_111 = vector.broadcast %shift_right_arithmetic3A_110 : i32 to vector<16xi32>
    %shift_right_arithmetic3A_112 = arith.shrsi %and3A_109, %shift_right_arithmetic3A_111 : vector<16xi32>
    %add3A_113 = arith.addi %shift_left3A_106, %shift_right_arithmetic3A_112 : vector<16xi32>
    %swap3A_114 = arith.constant 80 : index
    %swap3A_115 = tpu.vector_load %arg5[%swap3A_114] {strides = array<i32>} : memref<512xi32, #tpu.memory_space<vmem>>, vector<16xi32>,
    %swap3A_116 = vector.shape_cast %swap3A_115 : vector<16xi32> to vector<16xi32>
    %swap3A_117 = vector.shape_cast %add3A_113 : vector<16xi32> to vector<16xi32>
    tpu.vector_store %arg5[%swap3A_114], %swap3A_117 {strides = array<i32>} : memref<512xi32, #tpu.memory_space<vmem>>, vector<16xi32>,
    %get3A_118 = arith.constant 96 : index
    %get3A_119 = tpu.vector_load %arg5[%get3A_118] {strides = array<i32>} : memref<512xi32, #tpu.memory_space<vmem>>, vector<16xi32>,
    %get3A_120 = vector.shape_cast %get3A_119 : vector<16xi32> to vector<16xi32>
    %shift_right_arithmetic3A_121 = arith.constant 15 : i32
    %shift_right_arithmetic3A_122 = vector.broadcast %shift_right_arithmetic3A_121 : i32 to vector<16xi32>
    %shift_right_arithmetic3A_123 = arith.shrsi %get3A_120, %shift_right_arithmetic3A_122 : vector<16xi32>
    %shift_left3A_124 = arith.constant 13 : i32
    %shift_left3A_125 = vector.broadcast %shift_left3A_124 : i32 to vector<16xi32>
    %shift_left3A_126 = arith.shli %shift_right_arithmetic3A_123, %shift_left3A_125 : vector<16xi32>
    %and3A_127 = arith.constant 16383 : i32
    %and3A_128 = vector.broadcast %and3A_127 : i32 to vector<16xi32>
    %and3A_129 = arith.andi %get3A_120, %and3A_128 : vector<16xi32>
    %shift_right_arithmetic3A_130 = arith.constant 1 : i32
    %shift_right_arithmetic3A_131 = vector.broadcast %shift_right_arithmetic3A_130 : i32 to vector<16xi32>
    %shift_right_arithmetic3A_132 = arith.shrsi %and3A_129, %shift_right_arithmetic3A_131 : vector<16xi32>
    %add3A_133 = arith.addi %shift_left3A_126, %shift_right_arithmetic3A_132 : vector<16xi32>
    %swap3A_134 = arith.constant 96 : index
    %swap3A_135 = tpu.vector_load %arg5[%swap3A_134] {strides = array<i32>} : memref<512xi32, #tpu.memory_space<vmem>>, vector<16xi32>,
    %swap3A_136 = vector.shape_cast %swap3A_135 : vector<16xi32> to vector<16xi32>
    %swap3A_137 = vector.shape_cast %add3A_133 : vector<16xi32> to vector<16xi32>
    tpu.vector_store %arg5[%swap3A_134], %swap3A_137 {strides = array<i32>} : memref<512xi32, #tpu.memory_space<vmem>>, vector<16xi32>,
    %get3A_138 = arith.constant 112 : index
    %get3A_139 = tpu.vector_load %arg5[%get3A_138] {strides = array<i32>} : memref<512xi32, #tpu.memory_space<vmem>>, vector<16xi32>,
    %get3A_140 = vector.shape_cast %get3A_139 : vector<16xi32> to vector<16xi32>
    %shift_right_arithmetic3A_141 = arith.constant 15 : i32
    %shift_right_arithmetic3A_142 = vector.broadcast %shift_right_arithmetic3A_141 : i32 to vector<16xi32>
    %shift_right_arithmetic3A_143 = arith.shrsi %get3A_140, %shift_right_arithmetic3A_142 : vector<16xi32>
    %shift_left3A_144 = arith.constant 13 : i32
    %shift_left3A_145 = vector.broadcast %shift_left3A_144 : i32 to vector<16xi32>
    %shift_left3A_146 = arith.shli %shift_right_arithmetic3A_143, %shift_left3A_145 : vector<16xi32>
    %and3A_147 = arith.constant 16383 : i32
    %and3A_148 = vector.broadcast %and3A_147 : i32 to vector<16xi32>
    %and3A_149 = arith.andi %get3A_140, %and3A_148 : vector<16xi32>
    %shift_right_arithmetic3A_150 = arith.constant 1 : i32
    %shift_right_arithmetic3A_151 = vector.broadcast %shift_right_arithmetic3A_150 : i32 to vector<16xi32>
    %shift_right_arithmetic3A_152 = arith.shrsi %and3A_149, %shift_right_arithmetic3A_151 : vector<16xi32>
    %add3A_153 = arith.addi %shift_left3A_146, %shift_right_arithmetic3A_152 : vector<16xi32>
    %swap3A_154 = arith.constant 112 : index
    %swap3A_155 = tpu.vector_load %arg5[%swap3A_154] {strides = array<i32>} : memref<512xi32, #tpu.memory_space<vmem>>, vector<16xi32>,
    %swap3A_156 = vector.shape_cast %swap3A_155 : vector<16xi32> to vector<16xi32>
    %swap3A_157 = vector.shape_cast %add3A_153 : vector<16xi32> to vector<16xi32>
    tpu.vector_store %arg5[%swap3A_154], %swap3A_157 {strides = array<i32>} : memref<512xi32, #tpu.memory_space<vmem>>, vector<16xi32>,
    %get3A_158 = arith.constant 128 : index
    %get3A_159 = tpu.vector_load %arg5[%get3A_158] {strides = array<i32>} : memref<512xi32, #tpu.memory_space<vmem>>, vector<16xi32>,
    %get3A_160 = vector.shape_cast %get3A_159 : vector<16xi32> to vector<16xi32>
    %shift_right_arithmetic3A_161 = arith.constant 15 : i32
    %shift_right_arithmetic3A_162 = vector.broadcast %shift_right_arithmetic3A_161 : i32 to vector<16xi32>
    %shift_right_arithmetic3A_163 = arith.shrsi %get3A_160, %shift_right_arithmetic3A_162 : vector<16xi32>
    %shift_left3A_164 = arith.constant 13 : i32
    %shift_left3A_165 = vector.broadcast %shift_left3A_164 : i32 to vector<16xi32>
    %shift_left3A_166 = arith.shli %shift_right_arithmetic3A_163, %shift_left3A_165 : vector<16xi32>
    %and3A_167 = arith.constant 16383 : i32
    %and3A_168 = vector.broadcast %and3A_167 : i32 to vector<16xi32>
    %and3A_169 = arith.andi %get3A_160, %and3A_168 : vector<16xi32>
    %shift_right_arithmetic3A_170 = arith.constant 1 : i32
    %shift_right_arithmetic3A_171 = vector.broadcast %shift_right_arithmetic3A_170 : i32 to vector<16xi32>
    %shift_right_arithmetic3A_172 = arith.shrsi %and3A_169, %shift_right_arithmetic3A_171 : vector<16xi32>
    %add3A_173 = arith.addi %shift_left3A_166, %shift_right_arithmetic3A_172 : vector<16xi32>
    %swap3A_174 = arith.constant 128 : index
    %swap3A_175 = tpu.vector_load %arg5[%swap3A_174] {strides = array<i32>} : memref<512xi32, #tpu.memory_space<vmem>>, vector<16xi32>,
    %swap3A_176 = vector.shape_cast %swap3A_175 : vector<16xi32> to vector<16xi32>
    %swap3A_177 = vector.shape_cast %add3A_173 : vector<16xi32> to vector<16xi32>
    tpu.vector_store %arg5[%swap3A_174], %swap3A_177 {strides = array<i32>} : memref<512xi32, #tpu.memory_space<vmem>>, vector<16xi32>,
    %get3A_178 = arith.constant 144 : index
    %get3A_179 = tpu.vector_load %arg5[%get3A_178] {strides = array<i32>} : memref<512xi32, #tpu.memory_space<vmem>>, vector<16xi32>,
    %get3A_180 = vector.shape_cast %get3A_179 : vector<16xi32> to vector<16xi32>
    %shift_right_arithmetic3A_181 = arith.constant 15 : i32
    %shift_right_arithmetic3A_182 = vector.broadcast %shift_right_arithmetic3A_181 : i32 to vector<16xi32>
    %shift_right_arithmetic3A_183 = arith.shrsi %get3A_180, %shift_right_arithmetic3A_182 : vector<16xi32>
    %shift_left3A_184 = arith.constant 13 : i32
    %shift_left3A_185 = vector.broadcast %shift_left3A_184 : i32 to vector<16xi32>
    %shift_left3A_186 = arith.shli %shift_right_arithmetic3A_183, %shift_left3A_185 : vector<16xi32>
    %and3A_187 = arith.constant 16383 : i32
    %and3A_188 = vector.broadcast %and3A_187 : i32 to vector<16xi32>
    %and3A_189 = arith.andi %get3A_180, %and3A_188 : vector<16xi32>
    %shift_right_arithmetic3A_190 = arith.constant 1 : i32
    %shift_right_arithmetic3A_191 = vector.broadcast %shift_right_arithmetic3A_190 : i32 to vector<16xi32>
    %shift_right_arithmetic3A_192 = arith.shrsi %and3A_189, %shift_right_arithmetic3A_191 : vector<16xi32>
    %add3A_193 = arith.addi %shift_left3A_186, %shift_right_arithmetic3A_192 : vector<16xi32>
    %swap3A_194 = arith.constant 144 : index
    %swap3A_195 = tpu.vector_load %arg5[%swap3A_194] {strides = array<i32>} : memref<512xi32, #tpu.memory_space<vmem>>, vector<16xi32>,
    %swap3A_196 = vector.shape_cast %swap3A_195 : vector<16xi32> to vector<16xi32>
    %swap3A_197 = vector.shape_cast %add3A_193 : vector<16xi32> to vector<16xi32>
    tpu.vector_store %arg5[%swap3A_194], %swap3A_197 {strides = array<i32>} : memref<512xi32, #tpu.memory_space<vmem>>, vector<16xi32>,
    %get3A_198 = arith.constant 160 : index
    %get3A_199 = tpu.vector_load %arg5[%get3A_198] {strides = array<i32>} : memref<512xi32, #tpu.memory_space<vmem>>, vector<16xi32>,
    %get3A_200 = vector.shape_cast %get3A_199 : vector<16xi32> to vector<16xi32>
    %shift_right_arithmetic3A_201 = arith.constant 15 : i32
    %shift_right_arithmetic3A_202 = vector.broadcast %shift_right_arithmetic3A_201 : i32 to vector<16xi32>
    %shift_right_arithmetic3A_203 = arith.shrsi %get3A_200, %shift_right_arithmetic3A_202 : vector<16xi32>
    %shift_left3A_204 = arith.constant 13 : i32
    %shift_left3A_205 = vector.broadcast %shift_left3A_204 : i32 to vector<16xi32>
    %shift_left3A_206 = arith.shli %shift_right_arithmetic3A_203, %shift_left3A_205 : vector<16xi32>
    %and3A_207 = arith.constant 16383 : i32
    %and3A_208 = vector.broadcast %and3A_207 : i32 to vector<16xi32>
    %and3A_209 = arith.andi %get3A_200, %and3A_208 : vector<16xi32>
    %shift_right_arithmetic3A_210 = arith.constant 1 : i32
    %shift_right_arithmetic3A_211 = vector.broadcast %shift_right_arithmetic3A_210 : i32 to vector<16xi32>
    %shift_right_arithmetic3A_212 = arith.shrsi %and3A_209, %shift_right_arithmetic3A_211 : vector<16xi32>
    %add3A_213 = arith.addi %shift_left3A_206, %shift_right_arithmetic3A_212 : vector<16xi32>
    %swap3A_214 = arith.constant 160 : index
    %swap3A_215 = tpu.vector_load %arg5[%swap3A_214] {strides = array<i32>} : memref<512xi32, #tpu.memory_space<vmem>>, vector<16xi32>,
    %swap3A_216 = vector.shape_cast %swap3A_215 : vector<16xi32> to vector<16xi32>
    %swap3A_217 = vector.shape_cast %add3A_213 : vector<16xi32> to vector<16xi32>
    tpu.vector_store %arg5[%swap3A_214], %swap3A_217 {strides = array<i32>} : memref<512xi32, #tpu.memory_space<vmem>>, vector<16xi32>,
    %get3A_218 = arith.constant 176 : index
    %get3A_219 = tpu.vector_load %arg5[%get3A_218] {strides = array<i32>} : memref<512xi32, #tpu.memory_space<vmem>>, vector<16xi32>,
    %get3A_220 = vector.shape_cast %get3A_219 : vector<16xi32> to vector<16xi32>
    %shift_right_arithmetic3A_221 = arith.constant 15 : i32
    %shift_right_arithmetic3A_222 = vector.broadcast %shift_right_arithmetic3A_221 : i32 to vector<16xi32>
    %shift_right_arithmetic3A_223 = arith.shrsi %get3A_220, %shift_right_arithmetic3A_222 : vector<16xi32>
    %shift_left3A_224 = arith.constant 13 : i32
    %shift_left3A_225 = vector.broadcast %shift_left3A_224 : i32 to vector<16xi32>
    %shift_left3A_226 = arith.shli %shift_right_arithmetic3A_223, %shift_left3A_225 : vector<16xi32>
    %and3A_227 = arith.constant 16383 : i32
    %and3A_228 = vector.broadcast %and3A_227 : i32 to vector<16xi32>
    %and3A_229 = arith.andi %get3A_220, %and3A_228 : vector<16xi32>
    %shift_right_arithmetic3A_230 = arith.constant 1 : i32
    %shift_right_arithmetic3A_231 = vector.broadcast %shift_right_arithmetic3A_230 : i32 to vector<16xi32>
    %shift_right_arithmetic3A_232 = arith.shrsi %and3A_229, %shift_right_arithmetic3A_231 : vector<16xi32>
    %add3A_233 = arith.addi %shift_left3A_226, %shift_right_arithmetic3A_232 : vector<16xi32>
    %swap3A_234 = arith.constant 176 : index
    %swap3A_235 = tpu.vector_load %arg5[%swap3A_234] {strides = array<i32>} : memref<512xi32, #tpu.memory_space<vmem>>, vector<16xi32>,
    %swap3A_236 = vector.shape_cast %swap3A_235 : vector<16xi32> to vector<16xi32>
    %swap3A_237 = vector.shape_cast %add3A_233 : vector<16xi32> to vector<16xi32>
    tpu.vector_store %arg5[%swap3A_234], %swap3A_237 {strides = array<i32>} : memref<512xi32, #tpu.memory_space<vmem>>, vector<16xi32>,
    %get3A_238 = arith.constant 192 : index
    %get3A_239 = tpu.vector_load %arg5[%get3A_238] {strides = array<i32>} : memref<512xi32, #tpu.memory_space<vmem>>, vector<16xi32>,
    %get3A_240 = vector.shape_cast %get3A_239 : vector<16xi32> to vector<16xi32>
    %shift_right_arithmetic3A_241 = arith.constant 15 : i32
    %shift_right_arithmetic3A_242 = vector.broadcast %shift_right_arithmetic3A_241 : i32 to vector<16xi32>
    %shift_right_arithmetic3A_243 = arith.shrsi %get3A_240, %shift_right_arithmetic3A_242 : vector<16xi32>
    %shift_left3A_244 = arith.constant 13 : i32
    %shift_left3A_245 = vector.broadcast %shift_left3A_244 : i32 to vector<16xi32>
    %shift_left3A_246 = arith.shli %shift_right_arithmetic3A_243, %shift_left3A_245 : vector<16xi32>
    %and3A_247 = arith.constant 16383 : i32
    %and3A_248 = vector.broadcast %and3A_247 : i32 to vector<16xi32>
    %and3A_249 = arith.andi %get3A_240, %and3A_248 : vector<16xi32>
    %shift_right_arithmetic3A_250 = arith.constant 1 : i32
    %shift_right_arithmetic3A_251 = vector.broadcast %shift_right_arithmetic3A_250 : i32 to vector<16xi32>
    %shift_right_arithmetic3A_252 = arith.shrsi %and3A_249, %shift_right_arithmetic3A_251 : vector<16xi32>
    %add3A_253 = arith.addi %shift_left3A_246, %shift_right_arithmetic3A_252 : vector<16xi32>
    %swap3A_254 = arith.constant 192 : index
    %swap3A_255 = tpu.vector_load %arg5[%swap3A_254] {strides = array<i32>} : memref<512xi32, #tpu.memory_space<vmem>>, vector<16xi32>,
    %swap3A_256 = vector.shape_cast %swap3A_255 : vector<16xi32> to vector<16xi32>
    %swap3A_257 = vector.shape_cast %add3A_253 : vector<16xi32> to vector<16xi32>
    tpu.vector_store %arg5[%swap3A_254], %swap3A_257 {strides = array<i32>} : memref<512xi32, #tpu.memory_space<vmem>>, vector<16xi32>,
    %get3A_258 = arith.constant 208 : index
    %get3A_259 = tpu.vector_load %arg5[%get3A_258] {strides = array<i32>} : memref<512xi32, #tpu.memory_space<vmem>>, vector<16xi32>,
    %get3A_260 = vector.shape_cast %get3A_259 : vector<16xi32> to vector<16xi32>
    %shift_right_arithmetic3A_261 = arith.constant 15 : i32
    %shift_right_arithmetic3A_262 = vector.broadcast %shift_right_arithmetic3A_261 : i32 to vector<16xi32>
    %shift_right_arithmetic3A_263 = arith.shrsi %get3A_260, %shift_right_arithmetic3A_262 : vector<16xi32>
    %shift_left3A_264 = arith.constant 13 : i32
    %shift_left3A_265 = vector.broadcast %shift_left3A_264 : i32 to vector<16xi32>
    %shift_left3A_266 = arith.shli %shift_right_arithmetic3A_263, %shift_left3A_265 : vector<16xi32>
    %and3A_267 = arith.constant 16383 : i32
    %and3A_268 = vector.broadcast %and3A_267 : i32 to vector<16xi32>
    %and3A_269 = arith.andi %get3A_260, %and3A_268 : vector<16xi32>
    %shift_right_arithmetic3A_270 = arith.constant 1 : i32
    %shift_right_arithmetic3A_271 = vector.broadcast %shift_right_arithmetic3A_270 : i32 to vector<16xi32>
    %shift_right_arithmetic3A_272 = arith.shrsi %and3A_269, %shift_right_arithmetic3A_271 : vector<16xi32>
    %add3A_273 = arith.addi %shift_left3A_266, %shift_right_arithmetic3A_272 : vector<16xi32>
    %swap3A_274 = arith.constant 208 : index
    %swap3A_275 = tpu.vector_load %arg5[%swap3A_274] {strides = array<i32>} : memref<512xi32, #tpu.memory_space<vmem>>, vector<16xi32>,
    %swap3A_276 = vector.shape_cast %swap3A_275 : vector<16xi32> to vector<16xi32>
    %swap3A_277 = vector.shape_cast %add3A_273 : vector<16xi32> to vector<16xi32>
    tpu.vector_store %arg5[%swap3A_274], %swap3A_277 {strides = array<i32>} : memref<512xi32, #tpu.memory_space<vmem>>, vector<16xi32>,
    %get3A_278 = arith.constant 224 : index
    %get3A_279 = tpu.vector_load %arg5[%get3A_278] {strides = array<i32>} : memref<512xi32, #tpu.memory_space<vmem>>, vector<16xi32>,
    %get3A_280 = vector.shape_cast %get3A_279 : vector<16xi32> to vector<16xi32>
    %shift_right_arithmetic3A_281 = arith.constant 15 : i32
    %shift_right_arithmetic3A_282 = vector.broadcast %shift_right_arithmetic3A_281 : i32 to vector<16xi32>
    %shift_right_arithmetic3A_283 = arith.shrsi %get3A_280, %shift_right_arithmetic3A_282 : vector<16xi32>
    %shift_left3A_284 = arith.constant 13 : i32
    %shift_left3A_285 = vector.broadcast %shift_left3A_284 : i32 to vector<16xi32>
    %shift_left3A_286 = arith.shli %shift_right_arithmetic3A_283, %shift_left3A_285 : vector<16xi32>
    %and3A_287 = arith.constant 16383 : i32
    %and3A_288 = vector.broadcast %and3A_287 : i32 to vector<16xi32>
    %and3A_289 = arith.andi %get3A_280, %and3A_288 : vector<16xi32>
    %shift_right_arithmetic3A_290 = arith.constant 1 : i32
    %shift_right_arithmetic3A_291 = vector.broadcast %shift_right_arithmetic3A_290 : i32 to vector<16xi32>
    %shift_right_arithmetic3A_292 = arith.shrsi %and3A_289, %shift_right_arithmetic3A_291 : vector<16xi32>
    %add3A_293 = arith.addi %shift_left3A_286, %shift_right_arithmetic3A_292 : vector<16xi32>
    %swap3A_294 = arith.constant 224 : index
    %swap3A_295 = tpu.vector_load %arg5[%swap3A_294] {strides = array<i32>} : memref<512xi32, #tpu.memory_space<vmem>>, vector<16xi32>,
    %swap3A_296 = vector.shape_cast %swap3A_295 : vector<16xi32> to vector<16xi32>
    %swap3A_297 = vector.shape_cast %add3A_293 : vector<16xi32> to vector<16xi32>
    tpu.vector_store %arg5[%swap3A_294], %swap3A_297 {strides = array<i32>} : memref<512xi32, #tpu.memory_space<vmem>>, vector<16xi32>,
    %get3A_298 = arith.constant 240 : index
    %get3A_299 = tpu.vector_load %arg5[%get3A_298] {strides = array<i32>} : memref<512xi32, #tpu.memory_space<vmem>>, vector<16xi32>,
    %get3A_300 = vector.shape_cast %get3A_299 : vector<16xi32> to vector<16xi32>
    %shift_right_arithmetic3A_301 = arith.constant 15 : i32
    %shift_right_arithmetic3A_302 = vector.broadcast %shift_right_arithmetic3A_301 : i32 to vector<16xi32>
    %shift_right_arithmetic3A_303 = arith.shrsi %get3A_300, %shift_right_arithmetic3A_302 : vector<16xi32>
    %shift_left3A_304 = arith.constant 13 : i32
    %shift_left3A_305 = vector.broadcast %shift_left3A_304 : i32 to vector<16xi32>
    %shift_left3A_306 = arith.shli %shift_right_arithmetic3A_303, %shift_left3A_305 : vector<16xi32>
    %and3A_307 = arith.constant 16383 : i32
    %and3A_308 = vector.broadcast %and3A_307 : i32 to vector<16xi32>
    %and3A_309 = arith.andi %get3A_300, %and3A_308 : vector<16xi32>
    %shift_right_arithmetic3A_310 = arith.constant 1 : i32
    %shift_right_arithmetic3A_311 = vector.broadcast %shift_right_arithmetic3A_310 : i32 to vector<16xi32>
    %shift_right_arithmetic3A_312 = arith.shrsi %and3A_309, %shift_right_arithmetic3A_311 : vector<16xi32>
    %add3A_313 = arith.addi %shift_left3A_306, %shift_right_arithmetic3A_312 : vector<16xi32>
    %swap3A_314 = arith.constant 240 : index
    %swap3A_315 = tpu.vector_load %arg5[%swap3A_314] {strides = array<i32>} : memref<512xi32, #tpu.memory_space<vmem>>, vector<16xi32>,
    %swap3A_316 = vector.shape_cast %swap3A_315 : vector<16xi32> to vector<16xi32>
    %swap3A_317 = vector.shape_cast %add3A_313 : vector<16xi32> to vector<16xi32>
    tpu.vector_store %arg5[%swap3A_314], %swap3A_317 {strides = array<i32>} : memref<512xi32, #tpu.memory_space<vmem>>, vector<16xi32>,
    %get3A_318 = arith.constant 256 : index
    %get3A_319 = tpu.vector_load %arg5[%get3A_318] {strides = array<i32>} : memref<512xi32, #tpu.memory_space<vmem>>, vector<16xi32>,
    %get3A_320 = vector.shape_cast %get3A_319 : vector<16xi32> to vector<16xi32>
    %shift_right_arithmetic3A_321 = arith.constant 15 : i32
    %shift_right_arithmetic3A_322 = vector.broadcast %shift_right_arithmetic3A_321 : i32 to vector<16xi32>
    %shift_right_arithmetic3A_323 = arith.shrsi %get3A_320, %shift_right_arithmetic3A_322 : vector<16xi32>
    %shift_left3A_324 = arith.constant 13 : i32
    %shift_left3A_325 = vector.broadcast %shift_left3A_324 : i32 to vector<16xi32>
    %shift_left3A_326 = arith.shli %shift_right_arithmetic3A_323, %shift_left3A_325 : vector<16xi32>
    %and3A_327 = arith.constant 16383 : i32
    %and3A_328 = vector.broadcast %and3A_327 : i32 to vector<16xi32>
    %and3A_329 = arith.andi %get3A_320, %and3A_328 : vector<16xi32>
    %shift_right_arithmetic3A_330 = arith.constant 1 : i32
    %shift_right_arithmetic3A_331 = vector.broadcast %shift_right_arithmetic3A_330 : i32 to vector<16xi32>
    %shift_right_arithmetic3A_332 = arith.shrsi %and3A_329, %shift_right_arithmetic3A_331 : vector<16xi32>
    %add3A_333 = arith.addi %shift_left3A_326, %shift_right_arithmetic3A_332 : vector<16xi32>
    %swap3A_334 = arith.constant 256 : index
    %swap3A_335 = tpu.vector_load %arg5[%swap3A_334] {strides = array<i32>} : memref<512xi32, #tpu.memory_space<vmem>>, vector<16xi32>,
    %swap3A_336 = vector.shape_cast %swap3A_335 : vector<16xi32> to vector<16xi32>
    %swap3A_337 = vector.shape_cast %add3A_333 : vector<16xi32> to vector<16xi32>
    tpu.vector_store %arg5[%swap3A_334], %swap3A_337 {strides = array<i32>} : memref<512xi32, #tpu.memory_space<vmem>>, vector<16xi32>,
    %get3A_338 = arith.constant 272 : index
    %get3A_339 = tpu.vector_load %arg5[%get3A_338] {strides = array<i32>} : memref<512xi32, #tpu.memory_space<vmem>>, vector<16xi32>,
    %get3A_340 = vector.shape_cast %get3A_339 : vector<16xi32> to vector<16xi32>
    %shift_right_arithmetic3A_341 = arith.constant 15 : i32
    %shift_right_arithmetic3A_342 = vector.broadcast %shift_right_arithmetic3A_341 : i32 to vector<16xi32>
    %shift_right_arithmetic3A_343 = arith.shrsi %get3A_340, %shift_right_arithmetic3A_342 : vector<16xi32>
    %shift_left3A_344 = arith.constant 13 : i32
    %shift_left3A_345 = vector.broadcast %shift_left3A_344 : i32 to vector<16xi32>
    %shift_left3A_346 = arith.shli %shift_right_arithmetic3A_343, %shift_left3A_345 : vector<16xi32>
    %and3A_347 = arith.constant 16383 : i32
    %and3A_348 = vector.broadcast %and3A_347 : i32 to vector<16xi32>
    %and3A_349 = arith.andi %get3A_340, %and3A_348 : vector<16xi32>
    %shift_right_arithmetic3A_350 = arith.constant 1 : i32
    %shift_right_arithmetic3A_351 = vector.broadcast %shift_right_arithmetic3A_350 : i32 to vector<16xi32>
    %shift_right_arithmetic3A_352 = arith.shrsi %and3A_349, %shift_right_arithmetic3A_351 : vector<16xi32>
    %add3A_353 = arith.addi %shift_left3A_346, %shift_right_arithmetic3A_352 : vector<16xi32>
    %swap3A_354 = arith.constant 272 : index
    %swap3A_355 = tpu.vector_load %arg5[%swap3A_354] {strides = array<i32>} : memref<512xi32, #tpu.memory_space<vmem>>, vector<16xi32>,
    %swap3A_356 = vector.shape_cast %swap3A_355 : vector<16xi32> to vector<16xi32>
    %swap3A_357 = vector.shape_cast %add3A_353 : vector<16xi32> to vector<16xi32>
    tpu.vector_store %arg5[%swap3A_354], %swap3A_357 {strides = array<i32>} : memref<512xi32, #tpu.memory_space<vmem>>, vector<16xi32>,
    %get3A_358 = arith.constant 288 : index
    %get3A_359 = tpu.vector_load %arg5[%get3A_358] {strides = array<i32>} : memref<512xi32, #tpu.memory_space<vmem>>, vector<16xi32>,
    %get3A_360 = vector.shape_cast %get3A_359 : vector<16xi32> to vector<16xi32>
    %shift_right_arithmetic3A_361 = arith.constant 15 : i32
    %shift_right_arithmetic3A_362 = vector.broadcast %shift_right_arithmetic3A_361 : i32 to vector<16xi32>
    %shift_right_arithmetic3A_363 = arith.shrsi %get3A_360, %shift_right_arithmetic3A_362 : vector<16xi32>
    %shift_left3A_364 = arith.constant 13 : i32
    %shift_left3A_365 = vector.broadcast %shift_left3A_364 : i32 to vector<16xi32>
    %shift_left3A_366 = arith.shli %shift_right_arithmetic3A_363, %shift_left3A_365 : vector<16xi32>
    %and3A_367 = arith.constant 16383 : i32
    %and3A_368 = vector.broadcast %and3A_367 : i32 to vector<16xi32>
    %and3A_369 = arith.andi %get3A_360, %and3A_368 : vector<16xi32>
    %shift_right_arithmetic3A_370 = arith.constant 1 : i32
    %shift_right_arithmetic3A_371 = vector.broadcast %shift_right_arithmetic3A_370 : i32 to vector<16xi32>
    %shift_right_arithmetic3A_372 = arith.shrsi %and3A_369, %shift_right_arithmetic3A_371 : vector<16xi32>
    %add3A_373 = arith.addi %shift_left3A_366, %shift_right_arithmetic3A_372 : vector<16xi32>
    %swap3A_374 = arith.constant 288 : index
    %swap3A_375 = tpu.vector_load %arg5[%swap3A_374] {strides = array<i32>} : memref<512xi32, #tpu.memory_space<vmem>>, vector<16xi32>,
    %swap3A_376 = vector.shape_cast %swap3A_375 : vector<16xi32> to vector<16xi32>
    %swap3A_377 = vector.shape_cast %add3A_373 : vector<16xi32> to vector<16xi32>
    tpu.vector_store %arg5[%swap3A_374], %swap3A_377 {strides = array<i32>} : memref<512xi32, #tpu.memory_space<vmem>>, vector<16xi32>,
    %get3A_378 = arith.constant 304 : index
    %get3A_379 = tpu.vector_load %arg5[%get3A_378] {strides = array<i32>} : memref<512xi32, #tpu.memory_space<vmem>>, vector<16xi32>,
    %get3A_380 = vector.shape_cast %get3A_379 : vector<16xi32> to vector<16xi32>
    %shift_right_arithmetic3A_381 = arith.constant 15 : i32
    %shift_right_arithmetic3A_382 = vector.broadcast %shift_right_arithmetic3A_381 : i32 to vector<16xi32>
    %shift_right_arithmetic3A_383 = arith.shrsi %get3A_380, %shift_right_arithmetic3A_382 : vector<16xi32>
    %shift_left3A_384 = arith.constant 13 : i32
    %shift_left3A_385 = vector.broadcast %shift_left3A_384 : i32 to vector<16xi32>
    %shift_left3A_386 = arith.shli %shift_right_arithmetic3A_383, %shift_left3A_385 : vector<16xi32>
    %and3A_387 = arith.constant 16383 : i32
    %and3A_388 = vector.broadcast %and3A_387 : i32 to vector<16xi32>
    %and3A_389 = arith.andi %get3A_380, %and3A_388 : vector<16xi32>
    %shift_right_arithmetic3A_390 = arith.constant 1 : i32
    %shift_right_arithmetic3A_391 = vector.broadcast %shift_right_arithmetic3A_390 : i32 to vector<16xi32>
    %shift_right_arithmetic3A_392 = arith.shrsi %and3A_389, %shift_right_arithmetic3A_391 : vector<16xi32>
    %add3A_393 = arith.addi %shift_left3A_386, %shift_right_arithmetic3A_392 : vector<16xi32>
    %swap3A_394 = arith.constant 304 : index
    %swap3A_395 = tpu.vector_load %arg5[%swap3A_394] {strides = array<i32>} : memref<512xi32, #tpu.memory_space<vmem>>, vector<16xi32>,
    %swap3A_396 = vector.shape_cast %swap3A_395 : vector<16xi32> to vector<16xi32>
    %swap3A_397 = vector.shape_cast %add3A_393 : vector<16xi32> to vector<16xi32>
    tpu.vector_store %arg5[%swap3A_394], %swap3A_397 {strides = array<i32>} : memref<512xi32, #tpu.memory_space<vmem>>, vector<16xi32>,
    %get3A_398 = arith.constant 320 : index
    %get3A_399 = tpu.vector_load %arg5[%get3A_398] {strides = array<i32>} : memref<512xi32, #tpu.memory_space<vmem>>, vector<16xi32>,
    %get3A_400 = vector.shape_cast %get3A_399 : vector<16xi32> to vector<16xi32>
    %shift_right_arithmetic3A_401 = arith.constant 15 : i32
    %shift_right_arithmetic3A_402 = vector.broadcast %shift_right_arithmetic3A_401 : i32 to vector<16xi32>
    %shift_right_arithmetic3A_403 = arith.shrsi %get3A_400, %shift_right_arithmetic3A_402 : vector<16xi32>
    %shift_left3A_404 = arith.constant 13 : i32
    %shift_left3A_405 = vector.broadcast %shift_left3A_404 : i32 to vector<16xi32>
    %shift_left3A_406 = arith.shli %shift_right_arithmetic3A_403, %shift_left3A_405 : vector<16xi32>
    %and3A_407 = arith.constant 16383 : i32
    %and3A_408 = vector.broadcast %and3A_407 : i32 to vector<16xi32>
    %and3A_409 = arith.andi %get3A_400, %and3A_408 : vector<16xi32>
    %shift_right_arithmetic3A_410 = arith.constant 1 : i32
    %shift_right_arithmetic3A_411 = vector.broadcast %shift_right_arithmetic3A_410 : i32 to vector<16xi32>
    %shift_right_arithmetic3A_412 = arith.shrsi %and3A_409, %shift_right_arithmetic3A_411 : vector<16xi32>
    %add3A_413 = arith.addi %shift_left3A_406, %shift_right_arithmetic3A_412 : vector<16xi32>
    %swap3A_414 = arith.constant 320 : index
    %swap3A_415 = tpu.vector_load %arg5[%swap3A_414] {strides = array<i32>} : memref<512xi32, #tpu.memory_space<vmem>>, vector<16xi32>,
    %swap3A_416 = vector.shape_cast %swap3A_415 : vector<16xi32> to vector<16xi32>
    %swap3A_417 = vector.shape_cast %add3A_413 : vector<16xi32> to vector<16xi32>
    tpu.vector_store %arg5[%swap3A_414], %swap3A_417 {strides = array<i32>} : memref<512xi32, #tpu.memory_space<vmem>>, vector<16xi32>,
    %get3A_418 = arith.constant 336 : index
    %get3A_419 = tpu.vector_load %arg5[%get3A_418] {strides = array<i32>} : memref<512xi32, #tpu.memory_space<vmem>>, vector<16xi32>,
    %get3A_420 = vector.shape_cast %get3A_419 : vector<16xi32> to vector<16xi32>
    %shift_right_arithmetic3A_421 = arith.constant 15 : i32
    %shift_right_arithmetic3A_422 = vector.broadcast %shift_right_arithmetic3A_421 : i32 to vector<16xi32>
    %shift_right_arithmetic3A_423 = arith.shrsi %get3A_420, %shift_right_arithmetic3A_422 : vector<16xi32>
    %shift_left3A_424 = arith.constant 13 : i32
    %shift_left3A_425 = vector.broadcast %shift_left3A_424 : i32 to vector<16xi32>
    %shift_left3A_426 = arith.shli %shift_right_arithmetic3A_423, %shift_left3A_425 : vector<16xi32>
    %and3A_427 = arith.constant 16383 : i32
    %and3A_428 = vector.broadcast %and3A_427 : i32 to vector<16xi32>
    %and3A_429 = arith.andi %get3A_420, %and3A_428 : vector<16xi32>
    %shift_right_arithmetic3A_430 = arith.constant 1 : i32
    %shift_right_arithmetic3A_431 = vector.broadcast %shift_right_arithmetic3A_430 : i32 to vector<16xi32>
    %shift_right_arithmetic3A_432 = arith.shrsi %and3A_429, %shift_right_arithmetic3A_431 : vector<16xi32>
    %add3A_433 = arith.addi %shift_left3A_426, %shift_right_arithmetic3A_432 : vector<16xi32>
    %swap3A_434 = arith.constant 336 : index
    %swap3A_435 = tpu.vector_load %arg5[%swap3A_434] {strides = array<i32>} : memref<512xi32, #tpu.memory_space<vmem>>, vector<16xi32>,
    %swap3A_436 = vector.shape_cast %swap3A_435 : vector<16xi32> to vector<16xi32>
    %swap3A_437 = vector.shape_cast %add3A_433 : vector<16xi32> to vector<16xi32>
    tpu.vector_store %arg5[%swap3A_434], %swap3A_437 {strides = array<i32>} : memref<512xi32, #tpu.memory_space<vmem>>, vector<16xi32>,
    %get3A_438 = arith.constant 352 : index
    %get3A_439 = tpu.vector_load %arg5[%get3A_438] {strides = array<i32>} : memref<512xi32, #tpu.memory_space<vmem>>, vector<16xi32>,
    %get3A_440 = vector.shape_cast %get3A_439 : vector<16xi32> to vector<16xi32>
    %shift_right_arithmetic3A_441 = arith.constant 15 : i32
    %shift_right_arithmetic3A_442 = vector.broadcast %shift_right_arithmetic3A_441 : i32 to vector<16xi32>
    %shift_right_arithmetic3A_443 = arith.shrsi %get3A_440, %shift_right_arithmetic3A_442 : vector<16xi32>
    %shift_left3A_444 = arith.constant 13 : i32
    %shift_left3A_445 = vector.broadcast %shift_left3A_444 : i32 to vector<16xi32>
    %shift_left3A_446 = arith.shli %shift_right_arithmetic3A_443, %shift_left3A_445 : vector<16xi32>
    %and3A_447 = arith.constant 16383 : i32
    %and3A_448 = vector.broadcast %and3A_447 : i32 to vector<16xi32>
    %and3A_449 = arith.andi %get3A_440, %and3A_448 : vector<16xi32>
    %shift_right_arithmetic3A_450 = arith.constant 1 : i32
    %shift_right_arithmetic3A_451 = vector.broadcast %shift_right_arithmetic3A_450 : i32 to vector<16xi32>
    %shift_right_arithmetic3A_452 = arith.shrsi %and3A_449, %shift_right_arithmetic3A_451 : vector<16xi32>
    %add3A_453 = arith.addi %shift_left3A_446, %shift_right_arithmetic3A_452 : vector<16xi32>
    %swap3A_454 = arith.constant 352 : index
    %swap3A_455 = tpu.vector_load %arg5[%swap3A_454] {strides = array<i32>} : memref<512xi32, #tpu.memory_space<vmem>>, vector<16xi32>,
    %swap3A_456 = vector.shape_cast %swap3A_455 : vector<16xi32> to vector<16xi32>
    %swap3A_457 = vector.shape_cast %add3A_453 : vector<16xi32> to vector<16xi32>
    tpu.vector_store %arg5[%swap3A_454], %swap3A_457 {strides = array<i32>} : memref<512xi32, #tpu.memory_space<vmem>>, vector<16xi32>,
    %get3A_458 = arith.constant 368 : index
    %get3A_459 = tpu.vector_load %arg5[%get3A_458] {strides = array<i32>} : memref<512xi32, #tpu.memory_space<vmem>>, vector<16xi32>,
    %get3A_460 = vector.shape_cast %get3A_459 : vector<16xi32> to vector<16xi32>
    %shift_right_arithmetic3A_461 = arith.constant 15 : i32
    %shift_right_arithmetic3A_462 = vector.broadcast %shift_right_arithmetic3A_461 : i32 to vector<16xi32>
    %shift_right_arithmetic3A_463 = arith.shrsi %get3A_460, %shift_right_arithmetic3A_462 : vector<16xi32>
    %shift_left3A_464 = arith.constant 13 : i32
    %shift_left3A_465 = vector.broadcast %shift_left3A_464 : i32 to vector<16xi32>
    %shift_left3A_466 = arith.shli %shift_right_arithmetic3A_463, %shift_left3A_465 : vector<16xi32>
    %and3A_467 = arith.constant 16383 : i32
    %and3A_468 = vector.broadcast %and3A_467 : i32 to vector<16xi32>
    %and3A_469 = arith.andi %get3A_460, %and3A_468 : vector<16xi32>
    %shift_right_arithmetic3A_470 = arith.constant 1 : i32
    %shift_right_arithmetic3A_471 = vector.broadcast %shift_right_arithmetic3A_470 : i32 to vector<16xi32>
    %shift_right_arithmetic3A_472 = arith.shrsi %and3A_469, %shift_right_arithmetic3A_471 : vector<16xi32>
    %add3A_473 = arith.addi %shift_left3A_466, %shift_right_arithmetic3A_472 : vector<16xi32>
    %swap3A_474 = arith.constant 368 : index
    %swap3A_475 = tpu.vector_load %arg5[%swap3A_474] {strides = array<i32>} : memref<512xi32, #tpu.memory_space<vmem>>, vector<16xi32>,
    %swap3A_476 = vector.shape_cast %swap3A_475 : vector<16xi32> to vector<16xi32>
    %swap3A_477 = vector.shape_cast %add3A_473 : vector<16xi32> to vector<16xi32>
    tpu.vector_store %arg5[%swap3A_474], %swap3A_477 {strides = array<i32>} : memref<512xi32, #tpu.memory_space<vmem>>, vector<16xi32>,
    %get3A_478 = arith.constant 384 : index
    %get3A_479 = tpu.vector_load %arg5[%get3A_478] {strides = array<i32>} : memref<512xi32, #tpu.memory_space<vmem>>, vector<16xi32>,
    %get3A_480 = vector.shape_cast %get3A_479 : vector<16xi32> to vector<16xi32>
    %shift_right_arithmetic3A_481 = arith.constant 15 : i32
    %shift_right_arithmetic3A_482 = vector.broadcast %shift_right_arithmetic3A_481 : i32 to vector<16xi32>
    %shift_right_arithmetic3A_483 = arith.shrsi %get3A_480, %shift_right_arithmetic3A_482 : vector<16xi32>
    %shift_left3A_484 = arith.constant 13 : i32
    %shift_left3A_485 = vector.broadcast %shift_left3A_484 : i32 to vector<16xi32>
    %shift_left3A_486 = arith.shli %shift_right_arithmetic3A_483, %shift_left3A_485 : vector<16xi32>
    %and3A_487 = arith.constant 16383 : i32
    %and3A_488 = vector.broadcast %and3A_487 : i32 to vector<16xi32>
    %and3A_489 = arith.andi %get3A_480, %and3A_488 : vector<16xi32>
    %shift_right_arithmetic3A_490 = arith.constant 1 : i32
    %shift_right_arithmetic3A_491 = vector.broadcast %shift_right_arithmetic3A_490 : i32 to vector<16xi32>
    %shift_right_arithmetic3A_492 = arith.shrsi %and3A_489, %shift_right_arithmetic3A_491 : vector<16xi32>
    %add3A_493 = arith.addi %shift_left3A_486, %shift_right_arithmetic3A_492 : vector<16xi32>
    %swap3A_494 = arith.constant 384 : index
    %swap3A_495 = tpu.vector_load %arg5[%swap3A_494] {strides = array<i32>} : memref<512xi32, #tpu.memory_space<vmem>>, vector<16xi32>,
    %swap3A_496 = vector.shape_cast %swap3A_495 : vector<16xi32> to vector<16xi32>
    %swap3A_497 = vector.shape_cast %add3A_493 : vector<16xi32> to vector<16xi32>
    tpu.vector_store %arg5[%swap3A_494], %swap3A_497 {strides = array<i32>} : memref<512xi32, #tpu.memory_space<vmem>>, vector<16xi32>,
    %get3A_498 = arith.constant 400 : index
    %get3A_499 = tpu.vector_load %arg5[%get3A_498] {strides = array<i32>} : memref<512xi32, #tpu.memory_space<vmem>>, vector<16xi32>,
    %get3A_500 = vector.shape_cast %get3A_499 : vector<16xi32> to vector<16xi32>
    %shift_right_arithmetic3A_501 = arith.constant 15 : i32
    %shift_right_arithmetic3A_502 = vector.broadcast %shift_right_arithmetic3A_501 : i32 to vector<16xi32>
    %shift_right_arithmetic3A_503 = arith.shrsi %get3A_500, %shift_right_arithmetic3A_502 : vector<16xi32>
    %shift_left3A_504 = arith.constant 13 : i32
    %shift_left3A_505 = vector.broadcast %shift_left3A_504 : i32 to vector<16xi32>
    %shift_left3A_506 = arith.shli %shift_right_arithmetic3A_503, %shift_left3A_505 : vector<16xi32>
    %and3A_507 = arith.constant 16383 : i32
    %and3A_508 = vector.broadcast %and3A_507 : i32 to vector<16xi32>
    %and3A_509 = arith.andi %get3A_500, %and3A_508 : vector<16xi32>
    %shift_right_arithmetic3A_510 = arith.constant 1 : i32
    %shift_right_arithmetic3A_511 = vector.broadcast %shift_right_arithmetic3A_510 : i32 to vector<16xi32>
    %shift_right_arithmetic3A_512 = arith.shrsi %and3A_509, %shift_right_arithmetic3A_511 : vector<16xi32>
    %add3A_513 = arith.addi %shift_left3A_506, %shift_right_arithmetic3A_512 : vector<16xi32>
    %swap3A_514 = arith.constant 400 : index
    %swap3A_515 = tpu.vector_load %arg5[%swap3A_514] {strides = array<i32>} : memref<512xi32, #tpu.memory_space<vmem>>, vector<16xi32>,
    %swap3A_516 = vector.shape_cast %swap3A_515 : vector<16xi32> to vector<16xi32>
    %swap3A_517 = vector.shape_cast %add3A_513 : vector<16xi32> to vector<16xi32>
    tpu.vector_store %arg5[%swap3A_514], %swap3A_517 {strides = array<i32>} : memref<512xi32, #tpu.memory_space<vmem>>, vector<16xi32>,
    %get3A_518 = arith.constant 416 : index
    %get3A_519 = tpu.vector_load %arg5[%get3A_518] {strides = array<i32>} : memref<512xi32, #tpu.memory_space<vmem>>, vector<16xi32>,
    %get3A_520 = vector.shape_cast %get3A_519 : vector<16xi32> to vector<16xi32>
    %shift_right_arithmetic3A_521 = arith.constant 15 : i32
    %shift_right_arithmetic3A_522 = vector.broadcast %shift_right_arithmetic3A_521 : i32 to vector<16xi32>
    %shift_right_arithmetic3A_523 = arith.shrsi %get3A_520, %shift_right_arithmetic3A_522 : vector<16xi32>
    %shift_left3A_524 = arith.constant 13 : i32
    %shift_left3A_525 = vector.broadcast %shift_left3A_524 : i32 to vector<16xi32>
    %shift_left3A_526 = arith.shli %shift_right_arithmetic3A_523, %shift_left3A_525 : vector<16xi32>
    %and3A_527 = arith.constant 16383 : i32
    %and3A_528 = vector.broadcast %and3A_527 : i32 to vector<16xi32>
    %and3A_529 = arith.andi %get3A_520, %and3A_528 : vector<16xi32>
    %shift_right_arithmetic3A_530 = arith.constant 1 : i32
    %shift_right_arithmetic3A_531 = vector.broadcast %shift_right_arithmetic3A_530 : i32 to vector<16xi32>
    %shift_right_arithmetic3A_532 = arith.shrsi %and3A_529, %shift_right_arithmetic3A_531 : vector<16xi32>
    %add3A_533 = arith.addi %shift_left3A_526, %shift_right_arithmetic3A_532 : vector<16xi32>
    %swap3A_534 = arith.constant 416 : index
    %swap3A_535 = tpu.vector_load %arg5[%swap3A_534] {strides = array<i32>} : memref<512xi32, #tpu.memory_space<vmem>>, vector<16xi32>,
    %swap3A_536 = vector.shape_cast %swap3A_535 : vector<16xi32> to vector<16xi32>
    %swap3A_537 = vector.shape_cast %add3A_533 : vector<16xi32> to vector<16xi32>
    tpu.vector_store %arg5[%swap3A_534], %swap3A_537 {strides = array<i32>} : memref<512xi32, #tpu.memory_space<vmem>>, vector<16xi32>,
    %get3A_538 = arith.constant 432 : index
    %get3A_539 = tpu.vector_load %arg5[%get3A_538] {strides = array<i32>} : memref<512xi32, #tpu.memory_space<vmem>>, vector<16xi32>,
    %get3A_540 = vector.shape_cast %get3A_539 : vector<16xi32> to vector<16xi32>
    %shift_right_arithmetic3A_541 = arith.constant 15 : i32
    %shift_right_arithmetic3A_542 = vector.broadcast %shift_right_arithmetic3A_541 : i32 to vector<16xi32>
    %shift_right_arithmetic3A_543 = arith.shrsi %get3A_540, %shift_right_arithmetic3A_542 : vector<16xi32>
    %shift_left3A_544 = arith.constant 13 : i32
    %shift_left3A_545 = vector.broadcast %shift_left3A_544 : i32 to vector<16xi32>
    %shift_left3A_546 = arith.shli %shift_right_arithmetic3A_543, %shift_left3A_545 : vector<16xi32>
    %and3A_547 = arith.constant 16383 : i32
    %and3A_548 = vector.broadcast %and3A_547 : i32 to vector<16xi32>
    %and3A_549 = arith.andi %get3A_540, %and3A_548 : vector<16xi32>
    %shift_right_arithmetic3A_550 = arith.constant 1 : i32
    %shift_right_arithmetic3A_551 = vector.broadcast %shift_right_arithmetic3A_550 : i32 to vector<16xi32>
    %shift_right_arithmetic3A_552 = arith.shrsi %and3A_549, %shift_right_arithmetic3A_551 : vector<16xi32>
    %add3A_553 = arith.addi %shift_left3A_546, %shift_right_arithmetic3A_552 : vector<16xi32>
    %swap3A_554 = arith.constant 432 : index
    %swap3A_555 = tpu.vector_load %arg5[%swap3A_554] {strides = array<i32>} : memref<512xi32, #tpu.memory_space<vmem>>, vector<16xi32>,
    %swap3A_556 = vector.shape_cast %swap3A_555 : vector<16xi32> to vector<16xi32>
    %swap3A_557 = vector.shape_cast %add3A_553 : vector<16xi32> to vector<16xi32>
    tpu.vector_store %arg5[%swap3A_554], %swap3A_557 {strides = array<i32>} : memref<512xi32, #tpu.memory_space<vmem>>, vector<16xi32>,
    %get3A_558 = arith.constant 448 : index
    %get3A_559 = tpu.vector_load %arg5[%get3A_558] {strides = array<i32>} : memref<512xi32, #tpu.memory_space<vmem>>, vector<16xi32>,
    %get3A_560 = vector.shape_cast %get3A_559 : vector<16xi32> to vector<16xi32>
    %shift_right_arithmetic3A_561 = arith.constant 15 : i32
    %shift_right_arithmetic3A_562 = vector.broadcast %shift_right_arithmetic3A_561 : i32 to vector<16xi32>
    %shift_right_arithmetic3A_563 = arith.shrsi %get3A_560, %shift_right_arithmetic3A_562 : vector<16xi32>
    %shift_left3A_564 = arith.constant 13 : i32
    %shift_left3A_565 = vector.broadcast %shift_left3A_564 : i32 to vector<16xi32>
    %shift_left3A_566 = arith.shli %shift_right_arithmetic3A_563, %shift_left3A_565 : vector<16xi32>
    %and3A_567 = arith.constant 16383 : i32
    %and3A_568 = vector.broadcast %and3A_567 : i32 to vector<16xi32>
    %and3A_569 = arith.andi %get3A_560, %and3A_568 : vector<16xi32>
    %shift_right_arithmetic3A_570 = arith.constant 1 : i32
    %shift_right_arithmetic3A_571 = vector.broadcast %shift_right_arithmetic3A_570 : i32 to vector<16xi32>
    %shift_right_arithmetic3A_572 = arith.shrsi %and3A_569, %shift_right_arithmetic3A_571 : vector<16xi32>
    %add3A_573 = arith.addi %shift_left3A_566, %shift_right_arithmetic3A_572 : vector<16xi32>
    %swap3A_574 = arith.constant 448 : index
    %swap3A_575 = tpu.vector_load %arg5[%swap3A_574] {strides = array<i32>} : memref<512xi32, #tpu.memory_space<vmem>>, vector<16xi32>,
    %swap3A_576 = vector.shape_cast %swap3A_575 : vector<16xi32> to vector<16xi32>
    %swap3A_577 = vector.shape_cast %add3A_573 : vector<16xi32> to vector<16xi32>
    tpu.vector_store %arg5[%swap3A_574], %swap3A_577 {strides = array<i32>} : memref<512xi32, #tpu.memory_space<vmem>>, vector<16xi32>,
    %get3A_578 = arith.constant 464 : index
    %get3A_579 = tpu.vector_load %arg5[%get3A_578] {strides = array<i32>} : memref<512xi32, #tpu.memory_space<vmem>>, vector<16xi32>,
    %get3A_580 = vector.shape_cast %get3A_579 : vector<16xi32> to vector<16xi32>
    %shift_right_arithmetic3A_581 = arith.constant 15 : i32
    %shift_right_arithmetic3A_582 = vector.broadcast %shift_right_arithmetic3A_581 : i32 to vector<16xi32>
    %shift_right_arithmetic3A_583 = arith.shrsi %get3A_580, %shift_right_arithmetic3A_582 : vector<16xi32>
    %shift_left3A_584 = arith.constant 13 : i32
    %shift_left3A_585 = vector.broadcast %shift_left3A_584 : i32 to vector<16xi32>
    %shift_left3A_586 = arith.shli %shift_right_arithmetic3A_583, %shift_left3A_585 : vector<16xi32>
    %and3A_587 = arith.constant 16383 : i32
    %and3A_588 = vector.broadcast %and3A_587 : i32 to vector<16xi32>
    %and3A_589 = arith.andi %get3A_580, %and3A_588 : vector<16xi32>
    %shift_right_arithmetic3A_590 = arith.constant 1 : i32
    %shift_right_arithmetic3A_591 = vector.broadcast %shift_right_arithmetic3A_590 : i32 to vector<16xi32>
    %shift_right_arithmetic3A_592 = arith.shrsi %and3A_589, %shift_right_arithmetic3A_591 : vector<16xi32>
    %add3A_593 = arith.addi %shift_left3A_586, %shift_right_arithmetic3A_592 : vector<16xi32>
    %swap3A_594 = arith.constant 464 : index
    %swap3A_595 = tpu.vector_load %arg5[%swap3A_594] {strides = array<i32>} : memref<512xi32, #tpu.memory_space<vmem>>, vector<16xi32>,
    %swap3A_596 = vector.shape_cast %swap3A_595 : vector<16xi32> to vector<16xi32>
    %swap3A_597 = vector.shape_cast %add3A_593 : vector<16xi32> to vector<16xi32>
    tpu.vector_store %arg5[%swap3A_594], %swap3A_597 {strides = array<i32>} : memref<512xi32, #tpu.memory_space<vmem>>, vector<16xi32>,
    %get3A_598 = arith.constant 480 : index
    %get3A_599 = tpu.vector_load %arg5[%get3A_598] {strides = array<i32>} : memref<512xi32, #tpu.memory_space<vmem>>, vector<16xi32>,
    %get3A_600 = vector.shape_cast %get3A_599 : vector<16xi32> to vector<16xi32>
    %shift_right_arithmetic3A_601 = arith.constant 15 : i32
    %shift_right_arithmetic3A_602 = vector.broadcast %shift_right_arithmetic3A_601 : i32 to vector<16xi32>
    %shift_right_arithmetic3A_603 = arith.shrsi %get3A_600, %shift_right_arithmetic3A_602 : vector<16xi32>
    %shift_left3A_604 = arith.constant 13 : i32
    %shift_left3A_605 = vector.broadcast %shift_left3A_604 : i32 to vector<16xi32>
    %shift_left3A_606 = arith.shli %shift_right_arithmetic3A_603, %shift_left3A_605 : vector<16xi32>
    %and3A_607 = arith.constant 16383 : i32
    %and3A_608 = vector.broadcast %and3A_607 : i32 to vector<16xi32>
    %and3A_609 = arith.andi %get3A_600, %and3A_608 : vector<16xi32>
    %shift_right_arithmetic3A_610 = arith.constant 1 : i32
    %shift_right_arithmetic3A_611 = vector.broadcast %shift_right_arithmetic3A_610 : i32 to vector<16xi32>
    %shift_right_arithmetic3A_612 = arith.shrsi %and3A_609, %shift_right_arithmetic3A_611 : vector<16xi32>
    %add3A_613 = arith.addi %shift_left3A_606, %shift_right_arithmetic3A_612 : vector<16xi32>
    %swap3A_614 = arith.constant 480 : index
    %swap3A_615 = tpu.vector_load %arg5[%swap3A_614] {strides = array<i32>} : memref<512xi32, #tpu.memory_space<vmem>>, vector<16xi32>,
    %swap3A_616 = vector.shape_cast %swap3A_615 : vector<16xi32> to vector<16xi32>
    %swap3A_617 = vector.shape_cast %add3A_613 : vector<16xi32> to vector<16xi32>
    tpu.vector_store %arg5[%swap3A_614], %swap3A_617 {strides = array<i32>} : memref<512xi32, #tpu.memory_space<vmem>>, vector<16xi32>,
    %get3A_618 = arith.constant 496 : index
    %get3A_619 = tpu.vector_load %arg5[%get3A_618] {strides = array<i32>} : memref<512xi32, #tpu.memory_space<vmem>>, vector<16xi32>,
    %get3A_620 = vector.shape_cast %get3A_619 : vector<16xi32> to vector<16xi32>
    %shift_right_arithmetic3A_621 = arith.constant 15 : i32
    %shift_right_arithmetic3A_622 = vector.broadcast %shift_right_arithmetic3A_621 : i32 to vector<16xi32>
    %shift_right_arithmetic3A_623 = arith.shrsi %get3A_620, %shift_right_arithmetic3A_622 : vector<16xi32>
    %shift_left3A_624 = arith.constant 13 : i32
    %shift_left3A_625 = vector.broadcast %shift_left3A_624 : i32 to vector<16xi32>
    %shift_left3A_626 = arith.shli %shift_right_arithmetic3A_623, %shift_left3A_625 : vector<16xi32>
    %and3A_627 = arith.constant 16383 : i32
    %and3A_628 = vector.broadcast %and3A_627 : i32 to vector<16xi32>
    %and3A_629 = arith.andi %get3A_620, %and3A_628 : vector<16xi32>
    %shift_right_arithmetic3A_630 = arith.constant 1 : i32
    %shift_right_arithmetic3A_631 = vector.broadcast %shift_right_arithmetic3A_630 : i32 to vector<16xi32>
    %shift_right_arithmetic3A_632 = arith.shrsi %and3A_629, %shift_right_arithmetic3A_631 : vector<16xi32>
    %add3A_633 = arith.addi %shift_left3A_626, %shift_right_arithmetic3A_632 : vector<16xi32>
    %swap3A_634 = arith.constant 496 : index
    %swap3A_635 = tpu.vector_load %arg5[%swap3A_634] {strides = array<i32>} : memref<512xi32, #tpu.memory_space<vmem>>, vector<16xi32>,
    %swap3A_636 = vector.shape_cast %swap3A_635 : vector<16xi32> to vector<16xi32>
    %swap3A_637 = vector.shape_cast %add3A_633 : vector<16xi32> to vector<16xi32>
    tpu.vector_store %arg5[%swap3A_634], %swap3A_637 {strides = array<i32>} : memref<512xi32, #tpu.memory_space<vmem>>, vector<16xi32>,
    %dma_start3A = arith.constant 0 : i32
    %dma_start3A_638 = arith.constant 0 : i32
    %dma_start3A_639 = tpu.memref_slice %arg6[%dma_start3A, %dma_start3A_638] : memref<512x128xi32, #tpu.memory_space<vmem>> -> memref<128x128xi32, #tpu.memory_space<vmem>>
    %dma_start3A_640 = arith.constant 0 : i32
    %dma_start3A_641 = tpu.memref_slice %arg5[%dma_start3A_640] : memref<512xi32, #tpu.memory_space<vmem>> -> memref<128xi32, #tpu.memory_space<vmem>>
    %dma_start3A_642 = arith.constant 0 : i32
    %dma_start3A_643 = arith.constant 0 : i32
    %dma_start3A_644 = tpu.memref_slice %arg2[%dma_start3A_642, %dma_start3A_643] : memref<253952x128xi32, #tpu.memory_space<hbm>> -> memref<253952x128xi32, #tpu.memory_space<hbm>>
    tpu.enqueue_indirect_dma source(%dma_start3A_644 : memref<253952x128xi32, #tpu.memory_space<hbm>>) target(%dma_start3A_639 : memref<128x128xi32, #tpu.memory_space<vmem>>) offsets(%dma_start3A_641 : memref<128xi32, #tpu.memory_space<vmem>>) semaphore(%arg7 : memref<!tpu.dma_semaphore, #tpu.memory_space<semaphore_mem>>)
    %dma_start3A_645 = arith.constant 128 : i32
    %dma_start3A_646 = arith.constant 0 : i32
    %dma_start3A_647 = tpu.memref_slice %arg6[%dma_start3A_645, %dma_start3A_646] : memref<512x128xi32, #tpu.memory_space<vmem>> -> memref<128x128xi32, #tpu.memory_space<vmem>>
    %dma_start3A_648 = arith.constant 128 : i32
    %dma_start3A_649 = tpu.memref_slice %arg5[%dma_start3A_648] : memref<512xi32, #tpu.memory_space<vmem>> -> memref<128xi32, #tpu.memory_space<vmem>>
    %dma_start3A_650 = arith.constant 0 : i32
    %dma_start3A_651 = arith.constant 0 : i32
    %dma_start3A_652 = tpu.memref_slice %arg2[%dma_start3A_650, %dma_start3A_651] : memref<253952x128xi32, #tpu.memory_space<hbm>> -> memref<253952x128xi32, #tpu.memory_space<hbm>>
    tpu.enqueue_indirect_dma source(%dma_start3A_652 : memref<253952x128xi32, #tpu.memory_space<hbm>>) target(%dma_start3A_647 : memref<128x128xi32, #tpu.memory_space<vmem>>) offsets(%dma_start3A_649 : memref<128xi32, #tpu.memory_space<vmem>>) semaphore(%arg7 : memref<!tpu.dma_semaphore, #tpu.memory_space<semaphore_mem>>)
    %dma_start3A_653 = arith.constant 256 : i32
    %dma_start3A_654 = arith.constant 0 : i32
    %dma_start3A_655 = tpu.memref_slice %arg6[%dma_start3A_653, %dma_start3A_654] : memref<512x128xi32, #tpu.memory_space<vmem>> -> memref<128x128xi32, #tpu.memory_space<vmem>>
    %dma_start3A_656 = arith.constant 256 : i32
    %dma_start3A_657 = tpu.memref_slice %arg5[%dma_start3A_656] : memref<512xi32, #tpu.memory_space<vmem>> -> memref<128xi32, #tpu.memory_space<vmem>>
    %dma_start3A_658 = arith.constant 0 : i32
    %dma_start3A_659 = arith.constant 0 : i32
    %dma_start3A_660 = tpu.memref_slice %arg2[%dma_start3A_658, %dma_start3A_659] : memref<253952x128xi32, #tpu.memory_space<hbm>> -> memref<253952x128xi32, #tpu.memory_space<hbm>>
    tpu.enqueue_indirect_dma source(%dma_start3A_660 : memref<253952x128xi32, #tpu.memory_space<hbm>>) target(%dma_start3A_655 : memref<128x128xi32, #tpu.memory_space<vmem>>) offsets(%dma_start3A_657 : memref<128xi32, #tpu.memory_space<vmem>>) semaphore(%arg7 : memref<!tpu.dma_semaphore, #tpu.memory_space<semaphore_mem>>)
    %dma_start3A_661 = arith.constant 384 : i32
    %dma_start3A_662 = arith.constant 0 : i32
    %dma_start3A_663 = tpu.memref_slice %arg6[%dma_start3A_661, %dma_start3A_662] : memref<512x128xi32, #tpu.memory_space<vmem>> -> memref<128x128xi32, #tpu.memory_space<vmem>>
    %dma_start3A_664 = arith.constant 384 : i32
    %dma_start3A_665 = tpu.memref_slice %arg5[%dma_start3A_664] : memref<512xi32, #tpu.memory_space<vmem>> -> memref<128xi32, #tpu.memory_space<vmem>>
    %dma_start3A_666 = arith.constant 0 : i32
    %dma_start3A_667 = arith.constant 0 : i32
    %dma_start3A_668 = tpu.memref_slice %arg2[%dma_start3A_666, %dma_start3A_667] : memref<253952x128xi32, #tpu.memory_space<hbm>> -> memref<253952x128xi32, #tpu.memory_space<hbm>>
    tpu.enqueue_indirect_dma source(%dma_start3A_668 : memref<253952x128xi32, #tpu.memory_space<hbm>>) target(%dma_start3A_663 : memref<128x128xi32, #tpu.memory_space<vmem>>) offsets(%dma_start3A_665 : memref<128xi32, #tpu.memory_space<vmem>>) semaphore(%arg7 : memref<!tpu.dma_semaphore, #tpu.memory_space<semaphore_mem>>)
    %dma_wait3A = arith.constant 0 : i32
    %dma_wait3A_669 = arith.constant 0 : i32
    %dma_wait3A_670 = tpu.memref_slice %arg6[%dma_wait3A, %dma_wait3A_669] : memref<512x128xi32, #tpu.memory_space<vmem>> -> memref<128x128xi32, #tpu.memory_space<vmem>>
    %dma_wait3A_671 = arith.constant 0 : i32
    %dma_wait3A_672 = tpu.memref_slice %arg5[%dma_wait3A_671] : memref<512xi32, #tpu.memory_space<vmem>> -> memref<128xi32, #tpu.memory_space<vmem>>
    %dma_wait3A_673 = arith.constant 0 : i32
    %dma_wait3A_674 = arith.constant 0 : i32
    %dma_wait3A_675 = tpu.memref_slice %arg2[%dma_wait3A_673, %dma_wait3A_674] : memref<253952x128xi32, #tpu.memory_space<hbm>> -> memref<253952x128xi32, #tpu.memory_space<hbm>>
    tpu.wait_indirect_dma semaphore(%arg7 : memref<!tpu.dma_semaphore, #tpu.memory_space<semaphore_mem>>) src(%dma_wait3A_675 : memref<253952x128xi32, #tpu.memory_space<hbm>>) dst(%dma_wait3A_670 : memref<128x128xi32, #tpu.memory_space<vmem>>)
    %add3A_676 = arith.constant 0 : i32
    %add3A_677 = arith.addi %mul3A_2, %add3A_676 : i32
    "tpu.region"() ({
      %run_scoped3A = tpu.sem_alloc : memref<!tpu.dma_semaphore, #tpu.memory_space<semaphore_mem>>
      %dma_start3A_708 = arith.constant 0 : i32
      %dma_start3A_709 = arith.constant 0 : i32
      %dma_start3A_710 = tpu.memref_slice %arg6[%dma_start3A_708, %dma_start3A_709] : memref<512x128xi32, #tpu.memory_space<vmem>> -> memref<128x128xi32, #tpu.memory_space<vmem>>
      %dma_start3A_711 = arith.constant 0 : i32
      %dma_start3A_712 = tpu.memref_slice %arg4[%add3A_677, %dma_start3A_711] : memref<16384x128xi32, #tpu.memory_space<hbm>> -> memref<128x128xi32, #tpu.memory_space<hbm>>
      %dma_start3A_713 = arith.constant 0 : i32
      %dma_start3A_714 = tpu.memref_slice %arg4[%add3A_677, %dma_start3A_713] : memref<16384x128xi32, #tpu.memory_space<hbm>> -> memref<128x128xi32, #tpu.memory_space<hbm>>
      %dma_start3A_715 = arith.constant 0 : i32
      %dma_start3A_716 = arith.constant 0 : i32
      %dma_start3A_717 = tpu.memref_slice %arg6[%dma_start3A_715, %dma_start3A_716] : memref<512x128xi32, #tpu.memory_space<vmem>> -> memref<128x128xi32, #tpu.memory_space<vmem>>
      tpu.enqueue_dma source(%dma_start3A_717 : memref<128x128xi32, #tpu.memory_space<vmem>>) target(%dma_start3A_714 : memref<128x128xi32, #tpu.memory_space<hbm>>) target_semaphore(%run_scoped3A : memref<!tpu.dma_semaphore, #tpu.memory_space<semaphore_mem>>)
      %dma_wait3A_718 = arith.constant 0 : i32
      %dma_wait3A_719 = arith.constant 0 : i32
      %dma_wait3A_720 = tpu.memref_slice %arg6[%dma_wait3A_718, %dma_wait3A_719] : memref<512x128xi32, #tpu.memory_space<vmem>> -> memref<128x128xi32, #tpu.memory_space<vmem>>
      %dma_wait3A_721 = arith.constant 0 : i32
      %dma_wait3A_722 = tpu.memref_slice %arg4[%add3A_677, %dma_wait3A_721] : memref<16384x128xi32, #tpu.memory_space<hbm>> -> memref<128x128xi32, #tpu.memory_space<hbm>>
      %dma_wait3A_723 = arith.constant 0 : i32
      %dma_wait3A_724 = tpu.memref_slice %arg4[%add3A_677, %dma_wait3A_723] : memref<16384x128xi32, #tpu.memory_space<hbm>> -> memref<128x128xi32, #tpu.memory_space<hbm>>
      %dma_wait3A_725 = arith.constant 0 : i32
      %dma_wait3A_726 = arith.constant 0 : i32
      %dma_wait3A_727 = tpu.memref_slice %arg6[%dma_wait3A_725, %dma_wait3A_726] : memref<512x128xi32, #tpu.memory_space<vmem>> -> memref<128x128xi32, #tpu.memory_space<vmem>>
      tpu.wait_dma2 semaphore(%run_scoped3A : memref<!tpu.dma_semaphore, #tpu.memory_space<semaphore_mem>>) src(%dma_wait3A_727 : memref<128x128xi32, #tpu.memory_space<vmem>>) dst(%dma_wait3A_724 : memref<128x128xi32, #tpu.memory_space<hbm>>)
      tpu.yield
    }) : () -> ()
    %dma_wait3A_678 = arith.constant 128 : i32
    %dma_wait3A_679 = arith.constant 0 : i32
    %dma_wait3A_680 = tpu.memref_slice %arg6[%dma_wait3A_678, %dma_wait3A_679] : memref<512x128xi32, #tpu.memory_space<vmem>> -> memref<128x128xi32, #tpu.memory_space<vmem>>
    %dma_wait3A_681 = arith.constant 128 : i32
    %dma_wait3A_682 = tpu.memref_slice %arg5[%dma_wait3A_681] : memref<512xi32, #tpu.memory_space<vmem>> -> memref<128xi32, #tpu.memory_space<vmem>>
    %dma_wait3A_683 = arith.constant 0 : i32
    %dma_wait3A_684 = arith.constant 0 : i32
    %dma_wait3A_685 = tpu.memref_slice %arg2[%dma_wait3A_683, %dma_wait3A_684] : memref<253952x128xi32, #tpu.memory_space<hbm>> -> memref<253952x128xi32, #tpu.memory_space<hbm>>
    tpu.wait_indirect_dma semaphore(%arg7 : memref<!tpu.dma_semaphore, #tpu.memory_space<semaphore_mem>>) src(%dma_wait3A_685 : memref<253952x128xi32, #tpu.memory_space<hbm>>) dst(%dma_wait3A_680 : memref<128x128xi32, #tpu.memory_space<vmem>>)
    %add3A_686 = arith.constant 128 : i32
    %add3A_687 = arith.addi %mul3A_2, %add3A_686 : i32
    "tpu.region"() ({
      %run_scoped3A = tpu.sem_alloc : memref<!tpu.dma_semaphore, #tpu.memory_space<semaphore_mem>>
      %dma_start3A_708 = arith.constant 128 : i32
      %dma_start3A_709 = arith.constant 0 : i32
      %dma_start3A_710 = tpu.memref_slice %arg6[%dma_start3A_708, %dma_start3A_709] : memref<512x128xi32, #tpu.memory_space<vmem>> -> memref<128x128xi32, #tpu.memory_space<vmem>>
      %dma_start3A_711 = arith.constant 0 : i32
      %dma_start3A_712 = tpu.memref_slice %arg4[%add3A_687, %dma_start3A_711] : memref<16384x128xi32, #tpu.memory_space<hbm>> -> memref<128x128xi32, #tpu.memory_space<hbm>>
      %dma_start3A_713 = arith.constant 0 : i32
      %dma_start3A_714 = tpu.memref_slice %arg4[%add3A_687, %dma_start3A_713] : memref<16384x128xi32, #tpu.memory_space<hbm>> -> memref<128x128xi32, #tpu.memory_space<hbm>>
      %dma_start3A_715 = arith.constant 128 : i32
      %dma_start3A_716 = arith.constant 0 : i32
      %dma_start3A_717 = tpu.memref_slice %arg6[%dma_start3A_715, %dma_start3A_716] : memref<512x128xi32, #tpu.memory_space<vmem>> -> memref<128x128xi32, #tpu.memory_space<vmem>>
      tpu.enqueue_dma source(%dma_start3A_717 : memref<128x128xi32, #tpu.memory_space<vmem>>) target(%dma_start3A_714 : memref<128x128xi32, #tpu.memory_space<hbm>>) target_semaphore(%run_scoped3A : memref<!tpu.dma_semaphore, #tpu.memory_space<semaphore_mem>>)
      %dma_wait3A_718 = arith.constant 128 : i32
      %dma_wait3A_719 = arith.constant 0 : i32
      %dma_wait3A_720 = tpu.memref_slice %arg6[%dma_wait3A_718, %dma_wait3A_719] : memref<512x128xi32, #tpu.memory_space<vmem>> -> memref<128x128xi32, #tpu.memory_space<vmem>>
      %dma_wait3A_721 = arith.constant 0 : i32
      %dma_wait3A_722 = tpu.memref_slice %arg4[%add3A_687, %dma_wait3A_721] : memref<16384x128xi32, #tpu.memory_space<hbm>> -> memref<128x128xi32, #tpu.memory_space<hbm>>
      %dma_wait3A_723 = arith.constant 0 : i32
      %dma_wait3A_724 = tpu.memref_slice %arg4[%add3A_687, %dma_wait3A_723] : memref<16384x128xi32, #tpu.memory_space<hbm>> -> memref<128x128xi32, #tpu.memory_space<hbm>>
      %dma_wait3A_725 = arith.constant 128 : i32
      %dma_wait3A_726 = arith.constant 0 : i32
      %dma_wait3A_727 = tpu.memref_slice %arg6[%dma_wait3A_725, %dma_wait3A_726] : memref<512x128xi32, #tpu.memory_space<vmem>> -> memref<128x128xi32, #tpu.memory_space<vmem>>
      tpu.wait_dma2 semaphore(%run_scoped3A : memref<!tpu.dma_semaphore, #tpu.memory_space<semaphore_mem>>) src(%dma_wait3A_727 : memref<128x128xi32, #tpu.memory_space<vmem>>) dst(%dma_wait3A_724 : memref<128x128xi32, #tpu.memory_space<hbm>>)
      tpu.yield
    }) : () -> ()
    %dma_wait3A_688 = arith.constant 256 : i32
    %dma_wait3A_689 = arith.constant 0 : i32
    %dma_wait3A_690 = tpu.memref_slice %arg6[%dma_wait3A_688, %dma_wait3A_689] : memref<512x128xi32, #tpu.memory_space<vmem>> -> memref<128x128xi32, #tpu.memory_space<vmem>>
    %dma_wait3A_691 = arith.constant 256 : i32
    %dma_wait3A_692 = tpu.memref_slice %arg5[%dma_wait3A_691] : memref<512xi32, #tpu.memory_space<vmem>> -> memref<128xi32, #tpu.memory_space<vmem>>
    %dma_wait3A_693 = arith.constant 0 : i32
    %dma_wait3A_694 = arith.constant 0 : i32
    %dma_wait3A_695 = tpu.memref_slice %arg2[%dma_wait3A_693, %dma_wait3A_694] : memref<253952x128xi32, #tpu.memory_space<hbm>> -> memref<253952x128xi32, #tpu.memory_space<hbm>>
    tpu.wait_indirect_dma semaphore(%arg7 : memref<!tpu.dma_semaphore, #tpu.memory_space<semaphore_mem>>) src(%dma_wait3A_695 : memref<253952x128xi32, #tpu.memory_space<hbm>>) dst(%dma_wait3A_690 : memref<128x128xi32, #tpu.memory_space<vmem>>)
    %add3A_696 = arith.constant 256 : i32
    %add3A_697 = arith.addi %mul3A_2, %add3A_696 : i32
    "tpu.region"() ({
      %run_scoped3A = tpu.sem_alloc : memref<!tpu.dma_semaphore, #tpu.memory_space<semaphore_mem>>
      %dma_start3A_708 = arith.constant 256 : i32
      %dma_start3A_709 = arith.constant 0 : i32
      %dma_start3A_710 = tpu.memref_slice %arg6[%dma_start3A_708, %dma_start3A_709] : memref<512x128xi32, #tpu.memory_space<vmem>> -> memref<128x128xi32, #tpu.memory_space<vmem>>
      %dma_start3A_711 = arith.constant 0 : i32
      %dma_start3A_712 = tpu.memref_slice %arg4[%add3A_697, %dma_start3A_711] : memref<16384x128xi32, #tpu.memory_space<hbm>> -> memref<128x128xi32, #tpu.memory_space<hbm>>
      %dma_start3A_713 = arith.constant 0 : i32
      %dma_start3A_714 = tpu.memref_slice %arg4[%add3A_697, %dma_start3A_713] : memref<16384x128xi32, #tpu.memory_space<hbm>> -> memref<128x128xi32, #tpu.memory_space<hbm>>
      %dma_start3A_715 = arith.constant 256 : i32
      %dma_start3A_716 = arith.constant 0 : i32
      %dma_start3A_717 = tpu.memref_slice %arg6[%dma_start3A_715, %dma_start3A_716] : memref<512x128xi32, #tpu.memory_space<vmem>> -> memref<128x128xi32, #tpu.memory_space<vmem>>
      tpu.enqueue_dma source(%dma_start3A_717 : memref<128x128xi32, #tpu.memory_space<vmem>>) target(%dma_start3A_714 : memref<128x128xi32, #tpu.memory_space<hbm>>) target_semaphore(%run_scoped3A : memref<!tpu.dma_semaphore, #tpu.memory_space<semaphore_mem>>)
      %dma_wait3A_718 = arith.constant 256 : i32
      %dma_wait3A_719 = arith.constant 0 : i32
      %dma_wait3A_720 = tpu.memref_slice %arg6[%dma_wait3A_718, %dma_wait3A_719] : memref<512x128xi32, #tpu.memory_space<vmem>> -> memref<128x128xi32, #tpu.memory_space<vmem>>
      %dma_wait3A_721 = arith.constant 0 : i32
      %dma_wait3A_722 = tpu.memref_slice %arg4[%add3A_697, %dma_wait3A_721] : memref<16384x128xi32, #tpu.memory_space<hbm>> -> memref<128x128xi32, #tpu.memory_space<hbm>>
      %dma_wait3A_723 = arith.constant 0 : i32
      %dma_wait3A_724 = tpu.memref_slice %arg4[%add3A_697, %dma_wait3A_723] : memref<16384x128xi32, #tpu.memory_space<hbm>> -> memref<128x128xi32, #tpu.memory_space<hbm>>
      %dma_wait3A_725 = arith.constant 256 : i32
      %dma_wait3A_726 = arith.constant 0 : i32
      %dma_wait3A_727 = tpu.memref_slice %arg6[%dma_wait3A_725, %dma_wait3A_726] : memref<512x128xi32, #tpu.memory_space<vmem>> -> memref<128x128xi32, #tpu.memory_space<vmem>>
      tpu.wait_dma2 semaphore(%run_scoped3A : memref<!tpu.dma_semaphore, #tpu.memory_space<semaphore_mem>>) src(%dma_wait3A_727 : memref<128x128xi32, #tpu.memory_space<vmem>>) dst(%dma_wait3A_724 : memref<128x128xi32, #tpu.memory_space<hbm>>)
      tpu.yield
    }) : () -> ()
    %dma_wait3A_698 = arith.constant 384 : i32
    %dma_wait3A_699 = arith.constant 0 : i32
    %dma_wait3A_700 = tpu.memref_slice %arg6[%dma_wait3A_698, %dma_wait3A_699] : memref<512x128xi32, #tpu.memory_space<vmem>> -> memref<128x128xi32, #tpu.memory_space<vmem>>
    %dma_wait3A_701 = arith.constant 384 : i32
    %dma_wait3A_702 = tpu.memref_slice %arg5[%dma_wait3A_701] : memref<512xi32, #tpu.memory_space<vmem>> -> memref<128xi32, #tpu.memory_space<vmem>>
    %dma_wait3A_703 = arith.constant 0 : i32
    %dma_wait3A_704 = arith.constant 0 : i32
    %dma_wait3A_705 = tpu.memref_slice %arg2[%dma_wait3A_703, %dma_wait3A_704] : memref<253952x128xi32, #tpu.memory_space<hbm>> -> memref<253952x128xi32, #tpu.memory_space<hbm>>
    tpu.wait_indirect_dma semaphore(%arg7 : memref<!tpu.dma_semaphore, #tpu.memory_space<semaphore_mem>>) src(%dma_wait3A_705 : memref<253952x128xi32, #tpu.memory_space<hbm>>) dst(%dma_wait3A_700 : memref<128x128xi32, #tpu.memory_space<vmem>>)
    %add3A_706 = arith.constant 384 : i32
    %add3A_707 = arith.addi %mul3A_2, %add3A_706 : i32
    "tpu.region"() ({
      %run_scoped3A = tpu.sem_alloc : memref<!tpu.dma_semaphore, #tpu.memory_space<semaphore_mem>>
      %dma_start3A_708 = arith.constant 384 : i32
      %dma_start3A_709 = arith.constant 0 : i32
      %dma_start3A_710 = tpu.memref_slice %arg6[%dma_start3A_708, %dma_start3A_709] : memref<512x128xi32, #tpu.memory_space<vmem>> -> memref<128x128xi32, #tpu.memory_space<vmem>>
      %dma_start3A_711 = arith.constant 0 : i32
      %dma_start3A_712 = tpu.memref_slice %arg4[%add3A_707, %dma_start3A_711] : memref<16384x128xi32, #tpu.memory_space<hbm>> -> memref<128x128xi32, #tpu.memory_space<hbm>>
      %dma_start3A_713 = arith.constant 0 : i32
      %dma_start3A_714 = tpu.memref_slice %arg4[%add3A_707, %dma_start3A_713] : memref<16384x128xi32, #tpu.memory_space<hbm>> -> memref<128x128xi32, #tpu.memory_space<hbm>>
      %dma_start3A_715 = arith.constant 384 : i32
      %dma_start3A_716 = arith.constant 0 : i32
      %dma_start3A_717 = tpu.memref_slice %arg6[%dma_start3A_715, %dma_start3A_716] : memref<512x128xi32, #tpu.memory_space<vmem>> -> memref<128x128xi32, #tpu.memory_space<vmem>>
      tpu.enqueue_dma source(%dma_start3A_717 : memref<128x128xi32, #tpu.memory_space<vmem>>) target(%dma_start3A_714 : memref<128x128xi32, #tpu.memory_space<hbm>>) target_semaphore(%run_scoped3A : memref<!tpu.dma_semaphore, #tpu.memory_space<semaphore_mem>>)
      %dma_wait3A_718 = arith.constant 384 : i32
      %dma_wait3A_719 = arith.constant 0 : i32
      %dma_wait3A_720 = tpu.memref_slice %arg6[%dma_wait3A_718, %dma_wait3A_719] : memref<512x128xi32, #tpu.memory_space<vmem>> -> memref<128x128xi32, #tpu.memory_space<vmem>>
      %dma_wait3A_721 = arith.constant 0 : i32
      %dma_wait3A_722 = tpu.memref_slice %arg4[%add3A_707, %dma_wait3A_721] : memref<16384x128xi32, #tpu.memory_space<hbm>> -> memref<128x128xi32, #tpu.memory_space<hbm>>
      %dma_wait3A_723 = arith.constant 0 : i32
      %dma_wait3A_724 = tpu.memref_slice %arg4[%add3A_707, %dma_wait3A_723] : memref<16384x128xi32, #tpu.memory_space<hbm>> -> memref<128x128xi32, #tpu.memory_space<hbm>>
      %dma_wait3A_725 = arith.constant 384 : i32
      %dma_wait3A_726 = arith.constant 0 : i32
      %dma_wait3A_727 = tpu.memref_slice %arg6[%dma_wait3A_725, %dma_wait3A_726] : memref<512x128xi32, #tpu.memory_space<vmem>> -> memref<128x128xi32, #tpu.memory_space<vmem>>
      tpu.wait_dma2 semaphore(%run_scoped3A : memref<!tpu.dma_semaphore, #tpu.memory_space<semaphore_mem>>) src(%dma_wait3A_727 : memref<128x128xi32, #tpu.memory_space<vmem>>) dst(%dma_wait3A_724 : memref<128x128xi32, #tpu.memory_space<hbm>>)
      tpu.yield
    }) : () -> ()
    return
  }
}

module attributes {stable_mosaic.version = 14 : i64} {
  func.func @_mlp_body(%arg0: i32, %arg1: memref<4096x128xi32, #tpu.memory_space<vmem>>, %arg2: memref<4096x1xi32, #tpu.memory_space<vmem>>, %arg3: memref<64x128xf32, #tpu.memory_space<vmem>>, %arg4: memref<1x128xf32, #tpu.memory_space<vmem>>, %arg5: memref<1x128xf32, #tpu.memory_space<vmem>>, %arg6: memref<1x1xf32, #tpu.memory_space<vmem>>, %arg7: memref<4096x1xf32, #tpu.memory_space<vmem>>) attributes {dimension_semantics = [#tpu.dimension_semantics<arbitrary>], iteration_bounds = array<i64: 4>, scalar_prefetch = 0 : i64, scratch_operands = 0 : i64, tpu.core_type = #tpu.core_type<tc>, window_params = [{transform_indices = @transform_0, window_bounds = array<i64: 4096, 128>}, {transform_indices = @transform_1, window_bounds = array<i64: 4096, 1>}, {pipeline_mode = #tpu.pipeline_mode<synchronous>, transform_indices = @transform_2, window_bounds = array<i64: 64, 128>}, {pipeline_mode = #tpu.pipeline_mode<synchronous>, transform_indices = @transform_3, window_bounds = array<i64: 1, 128>}, {pipeline_mode = #tpu.pipeline_mode<synchronous>, transform_indices = @transform_4, window_bounds = array<i64: 1, 128>}, {pipeline_mode = #tpu.pipeline_mode<synchronous>, transform_indices = @transform_5, window_bounds = array<i64: 1, 1>}, {transform_indices = @transform_6, window_bounds = array<i64: 4096, 1>}]} {
    %get3A = arith.constant 0 : index
    %get3A_0 = arith.constant 0 : index
    %get3A_1 = vector.load %arg1[%get3A, %get3A_0] : memref<4096x128xi32, #tpu.memory_space<vmem>>, vector<4096x128xi32>
    %bitcast_convert_type3A = tpu.bitcast %get3A_1 : vector<4096x128xi32> -> vector<4096x128xi32>
    %get3A_2 = arith.constant 0 : index
    %get3A_3 = arith.constant 0 : index
    %get3A_4 = vector.load %arg2[%get3A_2, %get3A_3] : memref<4096x1xi32, #tpu.memory_space<vmem>>, vector<4096x1xi32>
    %shift_right_arithmetic3A = arith.constant 14 : i32
    %shift_right_arithmetic3A_5 = vector.broadcast %shift_right_arithmetic3A : i32 to vector<4096x1xi32>
    %shift_right_arithmetic3A_6 = arith.shrsi %get3A_4, %shift_right_arithmetic3A_5 : vector<4096x1xi32>
    %and3A = arith.constant 1 : i32
    %and3A_7 = vector.broadcast %and3A : i32 to vector<4096x1xi32>
    %and3A_8 = arith.andi %shift_right_arithmetic3A_6, %and3A_7 : vector<4096x1xi32>
    %and3A_9 = arith.constant 1 : i32
    %and3A_10 = vector.broadcast %and3A_9 : i32 to vector<4096x1xi32>
    %and3A_11 = arith.andi %get3A_4, %and3A_10 : vector<4096x1xi32>
    %eq3A = arith.constant 1 : i32
    %eq3A_12 = vector.broadcast %eq3A : i32 to vector<4096x1xi32>
    %eq3A_13 = arith.cmpi eq, %and3A_8, %eq3A_12 : vector<4096x1xi32>
    %slice3A = vector.extract_strided_slice %bitcast_convert_type3A {offsets = [0, 64], sizes = [4096, 64], strides = [1, 1]} : vector<4096x128xi32> to vector<4096x64xi32>
    %slice3A_14 = vector.extract_strided_slice %bitcast_convert_type3A {offsets = [0, 0], sizes = [4096, 64], strides = [1, 1]} : vector<4096x128xi32> to vector<4096x64xi32>
    %broadcast_in_dim3A = vector.shape_cast %eq3A_13 : vector<4096x1xi1> to vector<4096x1xi1>
    %broadcast_in_dim3A_15 = vector.broadcast %broadcast_in_dim3A : vector<4096x1xi1> to vector<4096x64xi1>
    %select_n3A = arith.select %broadcast_in_dim3A_15, %slice3A, %slice3A_14 : vector<4096x64xi1>, vector<4096x64xi32>
    %eq3A_16 = arith.constant 1 : i32
    %eq3A_17 = vector.broadcast %eq3A_16 : i32 to vector<4096x1xi32>
    %eq3A_18 = arith.cmpi eq, %and3A_11, %eq3A_17 : vector<4096x1xi32>
    %shift_right_logical3A = arith.constant 16 : i32
    %shift_right_logical3A_19 = vector.broadcast %shift_right_logical3A : i32 to vector<4096x64xi32>
    %shift_right_logical3A_20 = arith.shrui %select_n3A, %shift_right_logical3A_19 : vector<4096x64xi32>
    %and3A_21 = arith.constant 65535 : i32
    %and3A_22 = vector.broadcast %and3A_21 : i32 to vector<4096x64xi32>
    %and3A_23 = arith.andi %select_n3A, %and3A_22 : vector<4096x64xi32>
    %broadcast_in_dim3A_24 = vector.shape_cast %eq3A_18 : vector<4096x1xi1> to vector<4096x1xi1>
    %broadcast_in_dim3A_25 = vector.broadcast %broadcast_in_dim3A_24 : vector<4096x1xi1> to vector<4096x64xi1>
    %select_n3A_26 = arith.select %broadcast_in_dim3A_25, %shift_right_logical3A_20, %and3A_23 : vector<4096x64xi1>, vector<4096x64xi32>
    %convert_element_type3A = arith.trunci %select_n3A_26 : vector<4096x64xi32> to vector<4096x64xi16>
    %bitcast_convert_type3A_27 = tpu.bitcast %convert_element_type3A : vector<4096x64xi16> -> vector<4096x64xbf16>
    %convert_element_type3A_28 = arith.extf %bitcast_convert_type3A_27 : vector<4096x64xbf16> to vector<4096x64xf32>
    %get3A_29 = arith.constant 0 : index
    %get3A_30 = arith.constant 0 : index
    %get3A_31 = vector.load %arg3[%get3A_29, %get3A_30] : memref<64x128xf32, #tpu.memory_space<vmem>>, vector<64x128xf32>
    %dot_general3A = arith.constant dense<0.000000e+00> : vector<4096x128xf32>
    %dot_general3A_32 = tpu.matmul %convert_element_type3A_28, %get3A_31, %dot_general3A {dimension_numbers = #tpu.dot_dimension_numbers<[1], [0], [0], [1], [0, 0, 1, 1], [], []>, transpose_lhs_hint = false} : vector<4096x64xf32>, vector<64x128xf32>, vector<4096x128xf32> -> vector<4096x128xf32>
    %get3A_33 = arith.constant 0 : index
    %get3A_34 = arith.constant 0 : index
    %get3A_35 = vector.load %arg4[%get3A_33, %get3A_34] : memref<1x128xf32, #tpu.memory_space<vmem>>, vector<1x128xf32>
    %add3A = vector.broadcast %get3A_35 : vector<1x128xf32> to vector<4096x128xf32>
    %add3A_36 = arith.addf %dot_general3A_32, %add3A : vector<4096x128xf32>
    %max3A = arith.constant 0.000000e+00 : f32
    %max3A_37 = vector.broadcast %max3A : f32 to vector<4096x128xf32>
    %max3A_38 = arith.maximumf %add3A_36, %max3A_37 : vector<4096x128xf32>
    %get3A_39 = arith.constant 0 : index
    %get3A_40 = arith.constant 0 : index
    %get3A_41 = vector.load %arg5[%get3A_39, %get3A_40] : memref<1x128xf32, #tpu.memory_space<vmem>>, vector<1x128xf32>
    %mul3A = vector.broadcast %get3A_41 : vector<1x128xf32> to vector<4096x128xf32>
    %mul3A_42 = arith.mulf %max3A_38, %mul3A : vector<4096x128xf32>
    %reduce_sum3A = arith.constant dense<0.000000e+00> : vector<4096xf32>
    %reduce_sum3A_43 = vector.multi_reduction <add>, %mul3A_42, %reduce_sum3A [1] : vector<4096x128xf32> to vector<4096xf32>
    %broadcast_in_dim3A_44 = vector.shape_cast %reduce_sum3A_43 : vector<4096xf32> to vector<4096x1xf32>
    %get3A_45 = arith.constant 0 : index
    %get3A_46 = arith.constant 0 : index
    %get3A_47 = vector.load %arg6[%get3A_45, %get3A_46] : memref<1x1xf32, #tpu.memory_space<vmem>>, vector<1x1xf32>
    %add3A_48 = vector.broadcast %get3A_47 : vector<1x1xf32> to vector<4096x1xf32>
    %add3A_49 = arith.addf %broadcast_in_dim3A_44, %add3A_48 : vector<4096x1xf32>
    %swap3A = arith.constant 0 : index
    %swap3A_50 = arith.constant 0 : index
    %swap3A_51 = vector.load %arg7[%swap3A, %swap3A_50] : memref<4096x1xf32, #tpu.memory_space<vmem>>, vector<4096x1xf32>
    tpu.vector_store %arg7[%swap3A, %swap3A_50], %add3A_49 {strides = array<i32>} : memref<4096x1xf32, #tpu.memory_space<vmem>>, vector<4096x1xf32>,
    return
  }
  func.func @transform_0(%arg0: i32) -> (i32, i32) {
    %c0_i32 = arith.constant 0 : i32
    %c0_i32_0 = arith.constant 0 : i32
    return %arg0, %c0_i32 : i32, i32
  }
  func.func @transform_1(%arg0: i32) -> (i32, i32) {
    %c0_i32 = arith.constant 0 : i32
    %c0_i32_0 = arith.constant 0 : i32
    return %arg0, %c0_i32 : i32, i32
  }
  func.func @transform_2(%arg0: i32) -> (i32, i32) {
    %c0_i32 = arith.constant 0 : i32
    %c0_i32_0 = arith.constant 0 : i32
    %c0_i32_1 = arith.constant 0 : i32
    return %c0_i32, %c0_i32_0 : i32, i32
  }
  func.func @transform_3(%arg0: i32) -> (i32, i32) {
    %c0_i32 = arith.constant 0 : i32
    %c0_i32_0 = arith.constant 0 : i32
    %c0_i32_1 = arith.constant 0 : i32
    return %c0_i32, %c0_i32_0 : i32, i32
  }
  func.func @transform_4(%arg0: i32) -> (i32, i32) {
    %c0_i32 = arith.constant 0 : i32
    %c0_i32_0 = arith.constant 0 : i32
    %c0_i32_1 = arith.constant 0 : i32
    return %c0_i32, %c0_i32_0 : i32, i32
  }
  func.func @transform_5(%arg0: i32) -> (i32, i32) {
    %c0_i32 = arith.constant 0 : i32
    %c0_i32_0 = arith.constant 0 : i32
    %c0_i32_1 = arith.constant 0 : i32
    return %c0_i32, %c0_i32_0 : i32, i32
  }
  func.func @transform_6(%arg0: i32) -> (i32, i32) {
    %c0_i32 = arith.constant 0 : i32
    %c0_i32_0 = arith.constant 0 : i32
    return %arg0, %c0_i32 : i32, i32
  }
}

module attributes {stable_mosaic.version = 14 : i64} {
  func.func @_pack_body(%arg0: i32, %arg1: memref<64x32768xf32, #tpu.memory_space<vmem>>, %arg2: memref<8192x128xi32, #tpu.memory_space<vmem>>) attributes {dimension_semantics = [#tpu.dimension_semantics<arbitrary>], iteration_bounds = array<i64: 31>, scalar_prefetch = 0 : i64, scratch_operands = 0 : i64, tpu.core_type = #tpu.core_type<tc>, window_params = [{transform_indices = @transform_0, window_bounds = array<i64: 64, 32768>}, {transform_indices = @transform_1, window_bounds = array<i64: 8192, 128>}]} {
    %get3A = arith.constant 0 : index
    %get3A_0 = arith.constant 0 : index
    %get3A_1 = vector.load %arg1[%get3A, %get3A_0] : memref<64x32768xf32, #tpu.memory_space<vmem>>, vector<64x32768xf32>
    %convert_element_type3A = arith.truncf %get3A_1 : vector<64x32768xf32> to vector<64x32768xbf16>
    %transpose3A = tpu.transpose %convert_element_type3A, [1, 0] : vector<64x32768xbf16> -> vector<32768x64xbf16>
    %bitcast3A = tpu.bitcast %transpose3A : vector<32768x64xbf16> -> vector<16384x64xi32>
    %slice3A = vector.extract_strided_slice %bitcast3A {offsets = [0, 0], sizes = [8192, 64], strides = [1, 1]} : vector<16384x64xi32> to vector<8192x64xi32>
    %swap3A = arith.constant 0 : index
    %swap3A_2 = arith.constant 0 : index
    %swap3A_3 = vector.load %arg2[%swap3A, %swap3A_2] : memref<8192x128xi32, #tpu.memory_space<vmem>>, vector<8192x64xi32>
    tpu.vector_store %arg2[%swap3A, %swap3A_2], %slice3A {strides = array<i32>} : memref<8192x128xi32, #tpu.memory_space<vmem>>, vector<8192x64xi32>,
    %slice3A_4 = vector.extract_strided_slice %bitcast3A {offsets = [8192, 0], sizes = [8192, 64], strides = [1, 1]} : vector<16384x64xi32> to vector<8192x64xi32>
    %swap3A_5 = arith.constant 0 : index
    %swap3A_6 = arith.constant 64 : index
    %swap3A_7 = vector.load %arg2[%swap3A_5, %swap3A_6] : memref<8192x128xi32, #tpu.memory_space<vmem>>, vector<8192x64xi32>
    tpu.vector_store %arg2[%swap3A_5, %swap3A_6], %slice3A_4 {strides = array<i32>} : memref<8192x128xi32, #tpu.memory_space<vmem>>, vector<8192x64xi32>,
    return
  }
  func.func @transform_0(%arg0: i32) -> (i32, i32) {
    %c0_i32 = arith.constant 0 : i32
    %c0_i32_0 = arith.constant 0 : i32
    return %c0_i32, %arg0 : i32, i32
  }
  func.func @transform_1(%arg0: i32) -> (i32, i32) {
    %c0_i32 = arith.constant 0 : i32
    %c0_i32_0 = arith.constant 0 : i32
    return %arg0, %c0_i32 : i32, i32
  }
}

</mosaic_0001>

<sc_bundles>
// kernel: kernel.5.cloned.1.call-start
scs
__scs_entry_jumppad:
0x0: {  	(pc) =	sbr.rel $0x88, $3  }
0x1: {  	(tag) =	ssettag $0x0;
	lr =	simm.s32 $0x1  }
0x2: {  	[smem:$0x3F9B] =	sst lr;
	_ =	strace $0xD0000000  }
0x3: {  	_ = 	snop  }
0x4: {  	_ = 	snop  }
0x5: {  	_ = 	snop  }
0x6: {  	_ = 	snop  }
0x7: {  	_ = 	snop  }
__scs_overlays_trampoline_lowered:
0x8: {  	[smem:$0x3FAA] =	sst s0  }
0x9: {  	[smem:$0x3FAB] =	sst s1  }
0xa: {  	[smem:$0x3FAC] =	sst s2  }
0xb: {  	[smem:$0x3FAD] =	sst s3  }
0xc: {  	[smem:$0x3FAE] =	sst s4  }
0xd: {  	[smem:$0x3FAF] =	sst s5  }
0xe: {  	[smem:$0x3FB0] =	sst s6  }
0xf: {  	[smem:$0x3FB1] =	sst s7  }
0x10: {  	[smem:$0x3FB2] =	sst s8  }
0x11: {  	[smem:$0x3FB3] =	sst s9;
	s0 =	simm.s32 @!p0 $0x0  }
0x12: {  	s1 =	sld [smem:$0x3F99];
	s0 =	simm.s32 @p0 $0x1  }
0x13: {  	[smem:$0x3FB4] =	sst s0;
	s0 =	simm.s32 @!p1 $0x0  }
0x14: {  	s2 =	sld [smem:$0x3F98];
	s0 =	simm.s32 @p1 $0x1  }
0x15: {  	[smem:$0x3FB5] =	sst s0;
	s0 =	simm.s32 @!p2 $0x0  }
0x16: {  	s3 =	sld [smem:$0x3FDB];
	s0 =	simm.s32 @p2 $0x1  }
0x17: {  	s4 =	simm.s32 $0x1BF5;
	[smem:$0x3FB7] =	sst s0  }
0x18: {  	s0 =	sld [smem:$0x3F9A];
	_ =	swait.ge [sflag:s4], $0x0  }
0x19: {  	s7 =	sld [smem:$0x3F9B]  }
0x1a: {  	s8 =	sadd.s32 $0xFFFFE003, lr  }
0x1b: {  	s9 =	sadd.s32 $0xFFFFFEF7, lr;
	s5 =	simm.s32 $0xFFFFFFFF;
	p2 =	slt.u32 s8, $0xFFFFF086  }
0x1c: {  	p1 =	slt.u32 s9, $0xF7A;
	s5 =	simm.s32 @!p2 $0x0  }
0x1d: {  	s5 =	simm.s32 @p1 $0x1;
	p0 =	seq.s32 s7, s2  }
0x1e: {  	s7 =	smul.u32 @!p0 $0xF7A, s2;
	p2 =	seq.s32 @!p0 s5, $0x0  }
0x1f: {  	s9 =	smul.u32 $0xF7A, s1;
	s8 =	simm.s32 @!p0 $0x1BF5;
	p2 =	por !p2, p0  }
0x20: {  	[sflag:s8] =	ssyncset.s32 @!p0 $0xFFFFF086;
	s6 =	sadd.s32 @!p0 s3, s7;
	s7 =	simm.s32 @!p0 $0x108  }
0x21: {  	s3 =	sadd.s32 s3, s9;
	s6 =	sadd.s32 @!p0 $0x88, s6;
	s7 =	simm.s32 @p2 $0x1082  }
0x22: {  	[simem:s7], [sflag:s8] =	dma.local @!p0 [hbm:s6], $0xF7A  }
0x23: {  	s9 =	sor.u32 $0xD0000000, s2;
	s6 =	simm.s32 $0x108;
	_ =	swait.ge @!p0 [sflag:s8], $0x0  }
0x24: {  	s3 =	sadd.s32 $0x88, s3;
	s6 =	simm.s32 @!p1 $0x1082;
	[sflag:s4] =	ssyncset.s32 $0xFFFFF086  }
0x25: {  	[simem:s6], [sflag:s4] =	dma.local [hbm:s3], $0xF7A  }
0x26: {  	[smem:$0x3F9B] =	sst s1;
	(tag) =	ssettag s2;
	_ =	strace s9  }
0x27: {  	s1 =	sld [smem:$0x3FAB]  }
0x28: {  	s2 =	sld [smem:$0x3FAC]  }
0x29: {  	s4 =	sld [smem:$0x3FAE]  }
0x2a: {  	p0 =	seq.s32 s5, $0x0;
	s5 =	sld [smem:$0x3FAF]  }
0x2b: {  	s6 =	sld [smem:$0x3FB0]  }
0x2c: {  	s7 =	sld [smem:$0x3FB1]  }
0x2d: {  	s3 =	simm.s32 $0x108;
	s8 =	sld [smem:$0x3FB2]  }
0x2e: {  	s3 =	simm.s32 @!p0 $0x1082;
	s9 =	sld [smem:$0x3FB3]  }
0x2f: {  	lr =	sadd.s32 s0, s3;
	s0 =	sld [smem:$0x3FAA]  }
0x30: {  	s3 =	sld [smem:$0x3FAD]  }
0x31: {  	[smem:$0x3FB6] =	sst s10  }
0x32: {  	s10 =	sld [smem:$0x3FB4];
	_ =	sdelay $0x3  }
0x33: {  	p0 =	seq.s32 s10, $0x1;
	s10 =	sld [smem:$0x3FB6];
	_ =	sdelay $0x3  }
0x34: {  	[smem:$0x3FB6] =	sst s10  }
0x35: {  	s10 =	sld [smem:$0x3FB5];
	_ =	sdelay $0x3  }
0x36: {  	p1 =	seq.s32 s10, $0x1;
	s10 =	sld [smem:$0x3FB6];
	_ =	sdelay $0x3  }
0x37: {  	[smem:$0x3FB6] =	sst s10  }
0x38: {  	s10 =	sld [smem:$0x3FB7]  }
0x39: {  	_ = 	snop;
	(pc) =	sbr.ind lr, $3  }
0x3a: {  	_ = 	snop  }
0x3b: {  	_ = 	snop  }
0x3c: {  	p2 =	seq.s32 s10, $0x1;
	s10 =	sld [smem:$0x3FB6]  }
0x3d: {  	_ =	shalt  }
0x3e: {  	_ =	shalt  }
0x3f: {  	_ =	shalt  }
0x40: {  	_ =	shalt  }
0x41: {  	_ =	shalt  }
0x42: {  	_ =	shalt  }
0x43: {  	_ =	shalt  }
0x44: {  	_ =	shalt  }
0x45: {  	_ =	shalt  }
0x46: {  	_ =	shalt  }
0x47: {  	_ =	shalt  }
0x48: {  	_ =	shalt  }
0x49: {  	_ =	shalt  }
0x4a: {  	_ =	shalt  }
0x4b: {  	_ =	shalt  }
0x4c: {  	_ =	shalt  }
0x4d: {  	_ =	shalt  }
0x4e: {  	_ =	shalt  }
0x4f: {  	_ =	shalt  }
0x50: {  	_ =	shalt  }
0x51: {  	_ =	shalt  }
0x52: {  	_ =	shalt  }
0x53: {  	_ =	shalt  }
0x54: {  	_ =	shalt  }
0x55: {  	_ =	shalt  }
0x56: {  	_ =	shalt  }
0x57: {  	_ =	shalt  }
0x58: {  	_ =	shalt  }
0x59: {  	_ =	shalt  }
0x5a: {  	_ =	shalt  }
0x5b: {  	_ =	shalt  }
0x5c: {  	_ =	shalt  }
0x5d: {  	_ =	shalt  }
0x5e: {  	_ =	shalt  }
0x5f: {  	_ =	shalt  }
0x60: {  	_ =	shalt  }
0x61: {  	_ =	shalt  }
0x62: {  	_ =	shalt  }
0x63: {  	_ =	shalt  }
0x64: {  	_ =	shalt  }
0x65: {  	_ =	shalt  }
0x66: {  	_ =	shalt  }
0x67: {  	_ =	shalt  }
0x68: {  	_ =	shalt  }
0x69: {  	_ =	shalt  }
0x6a: {  	_ =	shalt  }
0x6b: {  	_ =	shalt  }
0x6c: {  	_ =	shalt  }
0x6d: {  	_ =	shalt  }
0x6e: {  	_ =	shalt  }
0x6f: {  	_ =	shalt  }
0x70: {  	_ =	shalt  }
0x71: {  	_ =	shalt  }
0x72: {  	_ =	shalt  }
0x73: {  	_ =	shalt  }
0x74: {  	_ =	shalt  }
0x75: {  	_ =	shalt  }
0x76: {  	_ =	shalt  }
0x77: {  	_ =	shalt  }
0x78: {  	_ =	shalt  }
0x79: {  	_ =	shalt  }
0x7a: {  	_ =	shalt  }
0x7b: {  	_ =	shalt  }
0x7c: {  	_ =	shalt  }
0x7d: {  	_ =	shalt  }
0x7e: {  	_ =	shalt  }
0x7f: {  	_ =	shalt  }
0x80: {  	_ =	shalt  }
0x81: {  	_ =	shalt  }
0x82: {  	_ =	shalt  }
0x83: {  	_ =	shalt  }
0x84: {  	_ =	shalt  }
0x85: {  	_ =	shalt  }
0x86: {  	_ =	shalt  }
0x87: {  	_ =	shalt  }
.Lfunc_end0:
.L_simem_size_0:
called_computation_lowered:
.L_overlay_start_0:
0x88: {  	s2 =	sld [smem:$0x3FD9]  }
0x89: {  	s3 =	sld [smem:$0x3FFE];
	_ =	sdelay $0x1  }
0x8a: {  	s1 =	srdreg.scid  }
0x8b: {  	s0 =	sand.u32 $0x1, s1  }
0x8c: {  	s17 =	sshll.u32 s0, $0xA;
	s2 =	sadd.s32 s3, s2  }
0x8d: {  	s2 =	sadd.s32 s2, s17  }
0x8e: {  	[smem:$0x3FC2] =	sst s2  }
0x8f: {  	_ = 	snop  }
0x90: {  	s2 =	sld [smem:$0x3FC9];
	(tm) =	ssettm $0x1  }
0x91: {  	s18 =	sld [smem:$0x3FFB];
	_ =	sdelay $0x3  }
0x92: {  	_ =	strace s18  }
0x93: {  	s3 =	sld [smem:$0x3FFC];
	_ =	sdelay $0x3  }
0x94: {  	_ =	strace s3  }
0x95: {  	s3 =	sld [smem:$0x3FFD];
	_ =	sdelay $0x3  }
0x96: {  	_ =	strace s3  }
0x97: {  	_ =	strace $0x8FFFFFFF  }
0x98: {  	s19 =	sld [smem:$0x3FDB];
	_ =	sdelay $0x1  }
0x99: {  	s4 =	simm.s32 $_scs_section_size  }
0x9a: {  	s5 =	simm.s32 $_size__tile_overlayer_lowered;
	s6 =	simm.s32 $_tile_overlayer_lowered  }
0x9b: {  	s22 =	simm.s32 $0x1BFF;
	s21 =	sshll.u32 s6, $0x1;
	s3 =	sadd.s32 s4, s19  }
0x9c: {  	s7 =	simm.s32 $0x0;
	s20 =	sshll.u32 s5, $0x1;
	s5 =	sadd.s32 s21, s3  }
0x9d: {  	[timem:s7], [sflag:s22] =	dma.local [hbm:s5], s20  }
0x9e: {  	_ =	swait.ge [sflag:s22], s20  }
0x9f: {  	s4 =	ssub.s32 $0x0, s20;
	[sflag:s22] =	ssyncset.done $0x0  }
0xa0: {  	[sflag:s22] =	ssyncadd.s32 s4;
	_ =	sdelay $0x1  }
0xa1: {  	s23 =	simm.s32 $0x1B8B  }
0xa2: {  	_ =	swait.ge [sflag:s23], $0x1  }
0xa3: {  	[sflag:s23] =	ssyncset.done $0x0  }
0xa4: {  	s25 =	simm.s32 $0x1B8E;
	s24 =	sld [smem:$0x3FFE];
	[sflag:s23] =	ssyncadd.s32 $0xFFFFFFFF  }
0xa5: {  	s26 =	simm.s32 $execute0_lowered;
	[smem:$0x3FD2] =	sst s25  }
0xa6: {  	s5 =	sshll.u32 s26, $0x1;
	_ =	strace $0x80000046;
	[dreg:$0x1] =	wrdreg $0xFFFFFFFF  }
0xa7: {  	s28 =	simm.s32 $_size_execute0_lowered;
	s3 =	sadd.s32 s3, s5;
	[dreg:$0x0] =	wrdreg $0x0  }
0xa8: {  	s5 =	sshll.u32 s28, $0x1;
	[dreg:$0x2] =	wrdreg s3  }
0xa9: {  	[dreg:$0x3] =	wrdreg s5  }
0xaa: {  	[dreg:$0x4] =	wrdreg $0xC0  }
0xab: {  	_ =	task [dreg:s7], $0x5FFFF  }
0xac: {  	[dreg:$0x1] =	wrdreg $0xFFFFFFFF  }
0xad: {  	[dreg:$0x0] =	wrdreg $0x60  }
0xae: {  	[dreg:$0x2] =	wrdreg s24  }
0xaf: {  	[dreg:$0x3] =	wrdreg s2  }
0xb0: {  	[dreg:$0x4] =	wrdreg $0x9  }
0xb1: {  	_ =	task.clear_ibuf [dreg:s7], $0x5FFFF;
	_ =	strace $0x90000046  }
0xb2: {  	s29 =	simm.s32 $0x9;
	_ =	strace $0x80000048  }
0xb3: {  	_ =	swait.ge [sflag:s29], $0x1  }
0xb4: {  	[sflag:s29] =	ssyncadd.s32 $0xFFFFFFFF  }
0xb5: {  	_ =	strace $0x90000048  }
0xb6: {  	_ =	sfence  }
0xb7: {  	s30 =	sld [smem:$0x0];
	_ =	sdelay $0x2  }
0xb8: {  	s31 =	sshll.u32 s1, $0xD;
	s1 =	sshrl.u32 s1, $0x2  }
0xb9: {  	s3 =	sand.u32 $0x4000, s31;
	s1 =	sadd.s32 s1, s30  }
0xba: {  	s0 =	sor.u32 s3, s0;
	s1 =	sshll.u32 s1, $0x11  }
0xbb: {  	s0 =	sor.u32 s1, s0  }
0xbc: {  	s0 =	sadd.s32 $0x8F2B, s0  }
0xbd: {  	[sflag:s0] =	ssyncadd.remote.s32 $0x1  }
0xbe: {  	_ =	sfence.sel $0xFFFF  }
0xbf: {  	[dreg:$0x0] =	wrdreg $0xFFFFFFFF;
	(pc) =	sbr.abs _section_cstart, $3  }
0xc0: {  	[dreg:$0x1] =	wrdreg $0xFFFFFFFF  }
0xc1: {  	_ =	task.clear_ibuf [dreg:s7], $0x2FFFF;
	_ =	strace $0x9FFFFFFF  }
0xc2: {  	(tm) =	ssettm $0x7FFFFFFF  }
0xc3: {  	_ =	shalt  }
tec
execute0_lowered:
.L_overlay_start_1:
0x0: {  	(tag) =	ssettag $0x1  }
0x1: {  	s1 =	srdreg.scid  }
0x2: {  	s5 =	rddreg [dreg:$0x0];
	s0 =	stileid.u32;
	s6 =	sand.u32 $0x1, s1  }
0x3: {  	s3 =	rddreg [dreg:$0x1];
	s4 =	sshll.u32 s0, $0xA;
	s7 =	sshll.u32 s6, $0x9  }
0x4: {  	s2 =	simm.s32 $0x0;
	s1 =	rddreg [dreg:$0x2];
	s7 =	sor.u32 s7, s4  }
0x5: {  	[smem:$0x7FF] =	sst s2;
	s4 =	sshrl.u32 s7, $0x3  }
0x6: {  	_ =	strace $0x80000047;
	s4 =	sadd.s32 s3, s4;
	s3 =	simm.s32 $0x2  }
0x7: {  	[tilespmem:s2], [sflag:$0x2] =	stream.linear.gather [hbm4b:s4+s2], $0x200, $0x38;
	[tilespmem:$0x10200] =	vst v63  }
0x8: {  	_ =	swait.ge [sflag:s3], $0x200  }
0x9: {  	[sflag:s3] =	ssyncset.done $0x0  }
0xa: {  	[sflag:s3] =	ssyncadd.s32 $0xFFFFFE00  }
0xb: {  	v0 =	vld [tilespmem:$0x1F0]  }
0xc: {  	v1 =	vld [tilespmem:$0x1E0]  }
0xd: {  	v2 =	vld [tilespmem:$0x30]  }
0xe: {  	v3 =	vld [tilespmem:$0x40]  }
0xf: {  	v5 =	vld [tilespmem:$0x0]  }
0x10: {  	v7 =	vld [tilespmem:$0x10]  }
0x11: {  	v12 =	vld [tilespmem:$0x70]  }
0x12: {  	v15 =	vld [tilespmem:$0x50]  }
0x13: {  	v22 =	vld [tilespmem:$0xA0];
	v6 =	vshra.s32 v0, $0x2;
	v8 =	vshra.s32 v1, $0x2  }
0x14: {  	v59 =	vld [tilespmem:$0xB0];
	v1 =	vshrl.u32 v1, $0x1;
	v0 =	vshrl.u32 v0, $0x1;
	v9 =	vshra.s32 v5, $0x2  }
0x15: {  	v10 =	vshra.s32 v3, $0x2;
	v13 =	vshra.s32 v7, $0x2;
	v14 =	vshrl.u32 v2, $0x1  }
0x16: {  	v5 =	vshrl.u32 v5, $0x1;
	v2 =	vshra.s32 v2, $0x2;
	v3 =	vshrl.u32 v3, $0x1  }
0x17: {  	v7 =	vshrl.u32 v7, $0x1;
	v17 =	vshra.s32 v12, $0x2;
	v19 =	vshra.s32 v15, $0x2  }
0x18: {  	v15 =	vshrl.u32 v15, $0x1;
	v12 =	vshrl.u32 v12, $0x1;
	v60 =	vshrl.u32 v22, $0x1  }
0x19: {  	v61 =	vshra.s32 v59, $0x2;
	v8 =	vand.u32 $0xFFFFE000, v8;
	v1 =	vand.u32 $0x1FFF, v1  }
0x1a: {  	v4 =	vld [tilespmem:$0x20];
	v6 =	vand.u32 $0xFFFFE000, v6;
	v0 =	vand.u32 $0x1FFF, v0;
	v10 =	vand.u32 $0xFFFFE000, v10  }
0x1b: {  	v11 =	vld [tilespmem:$0x60];
	v2 =	vand.u32 $0xFFFFE000, v2;
	v14 =	vand.u32 $0x1FFF, v14;
	v13 =	vand.u32 $0xFFFFE000, v13  }
0x1c: {  	v18 =	vld [tilespmem:$0xF0];
	v3 =	vand.u32 $0x1FFF, v3;
	v7 =	vand.u32 $0x1FFF, v7;
	v19 =	vand.u32 $0xFFFFE000, v19  }
0x1d: {  	v58 =	vld [tilespmem:$0xD0];
	v15 =	vand.u32 $0x1FFF, v15;
	v17 =	vand.u32 $0xFFFFE000, v17;
	v9 =	vand.u32 $0xFFFFE000, v9  }
0x1e: {  	v5 =	vand.u32 $0x1FFF, v5;
	v1 =	vor.u32 v1, v8;
	v0 =	vor.u32 v0, v6  }
0x1f: {  	v6 =	vshra.s32 v4, $0x2;
	v4 =	vshrl.u32 v4, $0x1;
	v2 =	vor.u32 v14, v2  }
0x20: {  	v3 =	vor.u32 v3, v10;
	v10 =	vshrl.u32 v11, $0x1;
	v15 =	vor.u32 v15, v19  }
0x21: {  	v20 =	vld [tilespmem:$0xE0];
	v7 =	vor.u32 v7, v13;
	v13 =	vshrl.u32 v18, $0x1;
	v5 =	vor.u32 v5, v9  }
0x22: {  	v11 =	vshra.s32 v11, $0x2;
	v18 =	vshra.s32 v18, $0x2;
	v19 =	vshrl.u32 v58, $0x1;
	[tilespmem:$0x1E0] =	vst v1  }
0x23: {  	v6 =	vand.u32 $0xFFFFE000, v6;
	v4 =	vand.u32 $0x1FFF, v4;
	v10 =	vand.u32 $0x1FFF, v10;
	[tilespmem:$0x1F0] =	vst v0  }
0x24: {  	v0 =	vshra.s32 v58, $0x2;
	v11 =	vand.u32 $0xFFFFE000, v11;
	[tilespmem:$0x30] =	vst v2;
	v2 =	vshra.s32 v22, $0x2  }
0x25: {  	v8 =	vld [tilespmem:$0x90];
	[tilespmem:$0x40] =	vst v3;
	v3 =	vand.u32 $0x1FFF, v60;
	v18 =	vand.u32 $0xFFFFE000, v18;
	v62 =	vand.u32 $0x1FFF, v19  }
0x26: {  	v14 =	vld [tilespmem:$0x80];
	[tilespmem:$0x0] =	vst v5;
	v5 =	vand.u32 $0xFFFFE000, v61;
	v1 =	vor.u32 v4, v6;
	v4 =	vshrl.u32 v20, $0x1  }
0x27: {  	v9 =	vld [tilespmem:$0xC0];
	v6 =	vshra.s32 v20, $0x2;
	v2 =	vand.u32 $0xFFFFE000, v2;
	v0 =	vand.u32 $0xFFFFE000, v0  }
0x28: {  	v6 =	vand.u32 $0xFFFFE000, v6;
	v2 =	vor.u32 v3, v2;
	v3 =	vshrl.u32 v59, $0x1  }
0x29: {  	v4 =	vand.u32 $0x1FFF, v4;
	v0 =	vor.u32 v62, v0;
	[tilespmem:$0x20] =	vst v1;
	v1 =	vor.u32 v10, v11  }
0x2a: {  	v4 =	vor.u32 v4, v6;
	[tilespmem:$0xA0] =	vst v2;
	v2 =	vand.u32 $0x1FFF, v12;
	v16 =	vshrl.u32 v8, $0x1  }
0x2b: {  	[tilespmem:$0x50] =	vst v15;
	v8 =	vshra.s32 v8, $0x2;
	v21 =	vshra.s32 v14, $0x2;
	v14 =	vshrl.u32 v14, $0x1  }
0x2c: {  	v63 =	vld [tilespmem:$0x170];
	[tilespmem:$0xD0] =	vst v0;
	v15 =	vshra.s32 v9, $0x2;
	v9 =	vshrl.u32 v9, $0x1;
	v0 =	vor.u32 v2, v17  }
0x2d: {  	[tilespmem:$0x10] =	vst v7;
	v7 =	vld [tilespmem:$0x180];
	v16 =	vand.u32 $0x1FFF, v16;
	v8 =	vand.u32 $0xFFFFE000, v8;
	v14 =	vand.u32 $0x1FFF, v14  }
0x2e: {  	[tilespmem:$0x60] =	vst v1;
	v10 =	vand.u32 $0xFFFFE000, v15;
	v15 =	vld [tilespmem:$0x160];
	v6 =	vand.u32 $0xFFFFE000, v21;
	v8 =	vor.u32 v16, v8  }
0x2f: {  	v9 =	vand.u32 $0x1FFF, v9;
	v2 =	vor.u32 v14, v6;
	v6 =	vand.u32 $0x1FFF, v13;
	[tilespmem:$0x90] =	vst v8;
	v8 =	vld [tilespmem:$0x100]  }
0x30: {  	s6 =	ssub.s32 $0x2, s6;
	v3 =	vand.u32 $0x1FFF, v3;
	[tilespmem:$0xE0] =	vst v4;
	v9 =	vor.u32 v9, v10;
	v10 =	vor.u32 v6, v18;
	v6 =	vld [tilespmem:$0x130]  }
0x31: {  	s31 =	sshrl.u32 s6, $0x1;
	v3 =	vor.u32 v3, v5;
	[tilespmem:$0x70] =	vst v0  }
0x32: {  	s11 =	ssub.s32 s6, s31;
	v12 =	vld [tilespmem:$0x140];
	[tilespmem:$0xB0] =	vst v3  }
0x33: {  	s18 =	smax.u32 s11, $0x1;
	v11 =	vld [tilespmem:$0x150];
	v1 =	vshrl.u32 v63, $0x1;
	v0 =	vshra.s32 v63, $0x2;
	[tilespmem:$0x80] =	vst v2;
	v2 =	vshrl.u32 v7, $0x1  }
0x34: {  	s14 =	simm.s32 $0x80;
	s15 =	simm.s32 $0x200;
	p0 =	sne.s32 s18, $0x1;
	v14 =	vld [tilespmem:$0x110];
	[tilespmem:$0xF0] =	vst v10;
	v3 =	vshrl.u32 v15, $0x1;
	v10 =	vshra.s32 v15, $0x2;
	v4 =	vshra.s32 v8, $0x2  }
.Ltmp0:
0x35: {  	s12 =	simm.s32 $0x4200;
	s7 =	sshll.u32 s7, $0x4;
	[tilespmem:$0xC0] =	vst v9;
	v5 =	vshrl.u32 v8, $0x1;
	v9 =	vshra.s32 v6, $0x2;
	v13 =	vshrl.u32 v6, $0x1;
	(pc) =	sbr.rel @!p0 .LBB2_2-.Ltmp0, $4  }
0x36: {  	s16 =	simm.s32 $0x100;
	s17 =	simm.s32 $0x180;
	s10 =	sadd.s32 s7, s5;
	v6 =	vand.u32 $0x1FFF, v3;
	v4 =	vand.u32 $0xFFFFE000, v4;
	v5 =	vand.u32 $0x1FFF, v5  }
0x37: {  	s9 =	sadd.s32 $0xE00, s5;
	s11 =	simm.s32 $0xC200;
	s7 =	sadd.s32 $0x3E0E00, s10;
	v3 =	vld [tilespmem:$0x120];
	v8 =	vor.u32 v5, v4;
	v4 =	vshra.s32 v7, $0x2;
	v5 =	vshra.s32 v12, $0x2  }
0x38: {  	s13 =	simm.s32 $0x1;
	s8 =	sadd.s32 $0x3E1600, s10;
	s6 =	sadd.s32 $0x3E1E00, s10;
	v7 =	vshra.s32 v11, $0x2;
	v12 =	vshrl.u32 v12, $0x1;
	v11 =	vshrl.u32 v11, $0x1  }
0x39: {  	s5 =	sadd.s32 $0x3E2600, s10;
	s10 =	simm.s32 $0x8200;
	s18 =	sadd.s32 $0xFFFFFFFF, s18;
	[tilespmem:$0x100] =	vst v8;
	v8 =	vand.u32 $0x1FFF, v13;
	v13 =	vshra.s32 v14, $0x2;
	v14 =	vshrl.u32 v14, $0x1  }
.LBB2_1:
0x3a: {  	p0 =	sne.s32 s18, $0x1;
	s18 =	sadd.s32 $0xFFFFFFFF, s18;
	v13 =	vand.u32 $0xFFFFE000, v13;
	v14 =	vand.u32 $0x1FFF, v14;
	v12 =	vand.u32 $0x1FFF, v12;
	v15 =	vld [tilespmem:$0x1B0]  }
0x3b: {  	v9 =	vand.u32 $0xFFFFE000, v9;
	v11 =	vand.u32 $0x1FFF, v11;
	v13 =	vor.u32 v14, v13;
	v14 =	vld [tilespmem:$0x1A0]  }
0x3c: {  	v7 =	vand.u32 $0xFFFFE000, v7;
	v2 =	vand.u32 $0x1FFF, v2;
	[tilespmem:$0x110] =	vst v13;
	v13 =	vshra.s32 v3, $0x2;
	v16 =	vld [tilespmem:$0x190]  }
0x3d: {  	v5 =	vand.u32 $0xFFFFE000, v5;
	v8 =	vor.u32 v8, v9;
	v7 =	vor.u32 v11, v7  }
0x3e: {  	v4 =	vand.u32 $0xFFFFE000, v4;
	v9 =	vand.u32 $0xFFFFE000, v13;
	[tilespmem:$0x130] =	vst v8;
	v8 =	vand.u32 $0xFFFFE000, v10  }
0x3f: {  	v2 =	vor.u32 v2, v4;
	[tilespmem:$0x150] =	vst v7;
	v6 =	vor.u32 v6, v8;
	v4 =	vshrl.u32 v15, $0x1  }
0x40: {  	v5 =	vor.u32 v12, v5;
	v3 =	vshrl.u32 v3, $0x1;
	[tilespmem:$0x180] =	vst v2;
	v2 =	vand.u32 $0x1FFF, v4;
	v4 =	vld [tilespmem:$0x1D0]  }
0x41: {  	v0 =	vand.u32 $0xFFFFE000, v0;
	v1 =	vand.u32 $0x1FFF, v1;
	[tilespmem:$0x160] =	vst v6;
	v6 =	vshra.s32 v15, $0x2;
	v7 =	vld [tilespmem:$0x1C0]  }
0x42: {  	v0 =	vor.u32 v1, v0;
	v1 =	vshra.s32 v16, $0x2;
	[tilespmem:$0x140] =	vst v5;
	v5 =	vshra.s32 v14, $0x2  }
0x43: {  	[tilespmem:$0x170] =	vst v0;
	v0 =	vand.u32 $0xFFFFE000, v1;
	v1 =	vshrl.u32 v16, $0x1;
	v5 =	vand.u32 $0xFFFFE000, v5  }
0x44: {  	v8 =	vshrl.u32 v14, $0x1;
	v6 =	vand.u32 $0xFFFFE000, v6;
	v1 =	vand.u32 $0x1FFF, v1  }
0x45: {  	v0 =	vor.u32 v1, v0;
	v1 =	vor.u32 v2, v6;
	v2 =	vshrl.u32 v4, $0x1  }
0x46: {  	v3 =	vand.u32 $0x1FFF, v3;
	v6 =	vand.u32 $0x1FFF, v8;
	[tilespmem:$0x1B0] =	vst v1;
	v1 =	vand.u32 $0x1FFF, v2  }
0x47: {  	v4 =	vshra.s32 v4, $0x2;
	v2 =	vor.u32 v3, v9;
	v3 =	vshrl.u32 v7, $0x1  }
0x48: {  	v4 =	vand.u32 $0xFFFFE000, v4;
	v3 =	vand.u32 $0x1FFF, v3;
	[tilespmem:$0x120] =	vst v2;
	v2 =	vshra.s32 v7, $0x2  }
0x49: {  	v1 =	vor.u32 v1, v4;
	[tilespmem:$0x190] =	vst v0;
	v0 =	vor.u32 v6, v5;
	v2 =	vand.u32 $0xFFFFE000, v2  }
0x4a: {  	[tilespmem:$0x1A0] =	vst v0;
	v0 =	vor.u32 v3, v2  }
0x4b: {  	[tilespmem:$0x1C0] =	vst v0  }
0x4c: {  	[tilespmem:$0x1D0] =	vst v1  }
0x4d: {  	[tilespmem:s15], [sflag:$0x1] =	stream.indirect.gather [hbm4b:s9+s14], $0x80, s2, s14, $0xb8;
	[tilespmem:$0x10200] =	vst v63  }
0x4e: {  	_ = 	snop  }
0x4f: {  	[tilespmem:s12], [sflag:$0x1] =	stream.indirect.gather [hbm4b:s9+s14], $0x80, s14, s14, $0xb8;
	[tilespmem:$0x10200] =	vst v63  }
0x50: {  	_ = 	snop  }
0x51: {  	[tilespmem:s10], [sflag:$0x1] =	stream.indirect.gather [hbm4b:s9+s14], $0x80, s16, s14, $0xb8;
	[tilespmem:$0x10200] =	vst v63  }
0x52: {  	_ = 	snop  }
0x53: {  	[tilespmem:s11], [sflag:$0x1] =	stream.indirect.gather [hbm4b:s9+s14], $0x80, s17, s14, $0xb8;
	[tilespmem:$0x10200] =	vst v63  }
0x54: {  	_ =	swait.ge [sflag:s13], $0x4000  }
0x55: {  	[sflag:s13] =	ssyncset.done $0x0  }
0x56: {  	[sflag:s13] =	ssyncadd.s32 $0xFFFFC000  }
0x57: {  	[hbm4b:s7+s2] =	stream.linear.scatter [tilespmem:s15], [sflag:$0x2], $0x4000, $0x38;
	[tilespmem:$0x10200] =	vst v63  }
0x58: {  	_ =	swait.ge [sflag:s3], $0x4000  }
0x59: {  	[sflag:s3] =	ssyncset.done $0x0  }
0x5a: {  	[sflag:s3] =	ssyncadd.s32 $0xFFFFC000  }
0x5b: {  	_ =	swait.ge [sflag:s13], $0x4000  }
0x5c: {  	[sflag:s13] =	ssyncset.done $0x0  }
0x5d: {  	[sflag:s13] =	ssyncadd.s32 $0xFFFFC000  }
0x5e: {  	[hbm4b:s8+s2] =	stream.linear.scatter [tilespmem:s12], [sflag:$0x2], $0x4000, $0x38;
	[tilespmem:$0x10200] =	vst v63  }
0x5f: {  	_ =	swait.ge [sflag:s3], $0x4000  }
0x60: {  	[sflag:s3] =	ssyncset.done $0x0  }
0x61: {  	[sflag:s3] =	ssyncadd.s32 $0xFFFFC000  }
0x62: {  	_ =	swait.ge [sflag:s13], $0x4000  }
0x63: {  	[sflag:s13] =	ssyncset.done $0x0  }
0x64: {  	[sflag:s13] =	ssyncadd.s32 $0xFFFFC000  }
0x65: {  	[hbm4b:s6+s2] =	stream.linear.scatter [tilespmem:s10], [sflag:$0x2], $0x4000, $0x38;
	[tilespmem:$0x10200] =	vst v63  }
0x66: {  	_ =	swait.ge [sflag:s3], $0x4000  }
0x67: {  	[sflag:s3] =	ssyncset.done $0x0  }
0x68: {  	[sflag:s3] =	ssyncadd.s32 $0xFFFFC000  }
0x69: {  	_ =	swait.ge [sflag:s13], $0x4000  }
0x6a: {  	[sflag:s13] =	ssyncset.done $0x0  }
0x6b: {  	[sflag:s13] =	ssyncadd.s32 $0xFFFFC000  }
0x6c: {  	[hbm4b:s5+s2] =	stream.linear.scatter [tilespmem:s11], [sflag:$0x2], $0x4000, $0x38;
	[tilespmem:$0x10200] =	vst v63  }
0x6d: {  	_ =	swait.ge [sflag:s3], $0x4000  }
0x6e: {  	[sflag:s3] =	ssyncset.done $0x0  }
0x6f: {  	[sflag:s3] =	ssyncadd.s32 $0xFFFFC000  }
0x70: {  	[tilespmem:s2], [sflag:$0x2] =	stream.linear.gather [hbm4b:s4+s2], $0x200, $0x38;
	[tilespmem:$0x10200] =	vst v63  }
0x71: {  	_ =	swait.ge [sflag:s3], $0x200  }
0x72: {  	[sflag:s3] =	ssyncset.done $0x0  }
0x73: {  	[sflag:s3] =	ssyncadd.s32 $0xFFFFFE00  }
0x74: {  	v0 =	vld [tilespmem:$0x1F0]  }
0x75: {  	v1 =	vld [tilespmem:$0x1E0]  }
0x76: {  	v2 =	vld [tilespmem:$0x30]  }
0x77: {  	v3 =	vld [tilespmem:$0x40]  }
0x78: {  	v4 =	vld [tilespmem:$0x20]  }
0x79: {  	v5 =	vld [tilespmem:$0x0];
	v6 =	vshra.s32 v0, $0x2;
	v0 =	vshrl.u32 v0, $0x1  }
0x7a: {  	v7 =	vld [tilespmem:$0x10];
	v8 =	vshra.s32 v1, $0x2;
	v1 =	vshrl.u32 v1, $0x1;
	v6 =	vand.u32 $0xFFFFE000, v6  }
0x7b: {  	v0 =	vand.u32 $0x1FFF, v0;
	v9 =	vld [tilespmem:$0x90];
	v8 =	vand.u32 $0xFFFFE000, v8;
	v1 =	vand.u32 $0x1FFF, v1  }
0x7c: {  	v0 =	vor.u32 v0, v6;
	v10 =	vld [tilespmem:$0x80];
	v1 =	vor.u32 v1, v8  }
0x7d: {  	v6 =	vshra.s32 v4, $0x2;
	v4 =	vshrl.u32 v4, $0x1;
	v8 =	vld [tilespmem:$0x70];
	[tilespmem:$0x1E0] =	vst v1  }
0x7e: {  	v11 =	vshra.s32 v3, $0x2;
	v1 =	vshra.s32 v5, $0x2;
	v6 =	vand.u32 $0xFFFFE000, v6;
	v12 =	vld [tilespmem:$0x60];
	[tilespmem:$0x1F0] =	vst v0  }
0x7f: {  	v13 =	vshrl.u32 v2, $0x1;
	v11 =	vand.u32 $0xFFFFE000, v11;
	v0 =	vshra.s32 v7, $0x2;
	v14 =	vld [tilespmem:$0x50]  }
0x80: {  	v2 =	vshra.s32 v2, $0x2;
	v3 =	vshrl.u32 v3, $0x1;
	v5 =	vshrl.u32 v5, $0x1  }
0x81: {  	v2 =	vand.u32 $0xFFFFE000, v2;
	v13 =	vand.u32 $0x1FFF, v13;
	v4 =	vand.u32 $0x1FFF, v4  }
0x82: {  	v2 =	vor.u32 v13, v2;
	v3 =	vand.u32 $0x1FFF, v3;
	v0 =	vand.u32 $0xFFFFE000, v0;
	v13 =	vld [tilespmem:$0x100]  }
0x83: {  	[tilespmem:$0x30] =	vst v2;
	v2 =	vor.u32 v3, v11;
	v3 =	vshrl.u32 v12, $0x1;
	v11 =	vshrl.u32 v9, $0x1;
	v15 =	vld [tilespmem:$0xF0]  }
0x84: {  	v7 =	vshrl.u32 v7, $0x1;
	[tilespmem:$0x40] =	vst v2;
	v2 =	vand.u32 $0x1FFF, v3;
	v3 =	vshra.s32 v8, $0x2;
	v16 =	vld [tilespmem:$0xE0]  }
0x85: {  	v17 =	vshra.s32 v14, $0x2;
	v14 =	vshrl.u32 v14, $0x1;
	v11 =	vand.u32 $0x1FFF, v11;
	v18 =	vld [tilespmem:$0xD0]  }
0x86: {  	v7 =	vand.u32 $0x1FFF, v7;
	v17 =	vand.u32 $0xFFFFE000, v17;
	v14 =	vand.u32 $0x1FFF, v14;
	v19 =	vld [tilespmem:$0xC0]  }
0x87: {  	v9 =	vshra.s32 v9, $0x2;
	v3 =	vand.u32 $0xFFFFE000, v3;
	v14 =	vor.u32 v14, v17;
	v17 =	vld [tilespmem:$0xB0]  }
0x88: {  	[tilespmem:$0x50] =	vst v14;
	v14 =	vshra.s32 v10, $0x2;
	v10 =	vshrl.u32 v10, $0x1;
	v20 =	vld [tilespmem:$0xA0];
	v21 =	vshrl.u32 v15, $0x1  }
0x89: {  	v8 =	vshrl.u32 v8, $0x1;
	v9 =	vand.u32 $0xFFFFE000, v9;
	v10 =	vand.u32 $0x1FFF, v10  }
0x8a: {  	v12 =	vshra.s32 v12, $0x2;
	v9 =	vor.u32 v11, v9;
	v11 =	vshrl.u32 v16, $0x1  }
0x8b: {  	v0 =	vor.u32 v7, v0;
	v7 =	vshra.s32 v18, $0x2;
	[tilespmem:$0x90] =	vst v9;
	v9 =	vshra.s32 v16, $0x2  }
0x8c: {  	v1 =	vand.u32 $0xFFFFE000, v1;
	v5 =	vand.u32 $0x1FFF, v5;
	v12 =	vand.u32 $0xFFFFE000, v12  }
0x8d: {  	v1 =	vor.u32 v5, v1;
	[tilespmem:$0x10] =	vst v0;
	v0 =	vor.u32 v4, v6;
	v4 =	vand.u32 $0xFFFFE000, v9  }
0x8e: {  	v5 =	vshrl.u32 v20, $0x1;
	v6 =	vshra.s32 v15, $0x2;
	[tilespmem:$0x0] =	vst v1;
	v1 =	vshra.s32 v20, $0x2  }
0x8f: {  	v6 =	vand.u32 $0xFFFFE000, v6;
	[tilespmem:$0x20] =	vst v0;
	v0 =	vand.u32 $0x1FFF, v5;
	v5 =	vshra.s32 v17, $0x2  }
0x90: {  	v9 =	vshra.s32 v19, $0x2;
	v15 =	vshrl.u32 v18, $0x1;
	v1 =	vand.u32 $0xFFFFE000, v1  }
0x91: {  	v15 =	vand.u32 $0x1FFF, v15;
	v0 =	vor.u32 v0, v1;
	v1 =	vshrl.u32 v17, $0x1  }
0x92: {  	v11 =	vand.u32 $0x1FFF, v11;
	v7 =	vand.u32 $0xFFFFE000, v7;
	v1 =	vand.u32 $0x1FFF, v1;
	v16 =	vld [tilespmem:$0x180]  }
0x93: {  	v7 =	vor.u32 v15, v7;
	[tilespmem:$0xA0] =	vst v0;
	v0 =	vand.u32 $0xFFFFE000, v5;
	v5 =	vshrl.u32 v19, $0x1;
	v15 =	vld [tilespmem:$0x170]  }
0x94: {  	v12 =	vor.u32 v2, v12;
	v2 =	vand.u32 $0xFFFFE000, v9;
	v4 =	vor.u32 v11, v4;
	[tilespmem:$0xD0] =	vst v7;
	v17 =	vld [tilespmem:$0x160]  }
0x95: {  	v7 =	vand.u32 $0x1FFF, v8;
	v8 =	vand.u32 $0xFFFFE000, v14;
	v5 =	vand.u32 $0x1FFF, v5;
	[tilespmem:$0xE0] =	vst v4;
	v11 =	vld [tilespmem:$0x150]  }
0x96: {  	v3 =	vor.u32 v7, v3;
	v4 =	vor.u32 v10, v8;
	v7 =	vand.u32 $0x1FFF, v21;
	v10 =	vld [tilespmem:$0x140]  }
0x97: {  	v1 =	vor.u32 v1, v0;
	v5 =	vor.u32 v5, v2;
	v8 =	vor.u32 v7, v6;
	[tilespmem:$0x80] =	vst v4;
	v6 =	vld [tilespmem:$0x130]  }
0x98: {  	v0 =	vshra.s32 v13, $0x2;
	v4 =	vshrl.u32 v13, $0x1;
	v2 =	vshrl.u32 v16, $0x1;
	[tilespmem:$0x70] =	vst v3;
	v3 =	vld [tilespmem:$0x120]  }
0x99: {  	v7 =	vand.u32 $0xFFFFE000, v0;
	v4 =	vand.u32 $0x1FFF, v4;
	v0 =	vshra.s32 v15, $0x2;
	[tilespmem:$0x60] =	vst v12;
	v14 =	vld [tilespmem:$0x110]  }
.Ltmp1:
0x9a: {  	v9 =	vor.u32 v4, v7;
	v4 =	vshra.s32 v16, $0x2;
	[tilespmem:$0xB0] =	vst v1;
	v1 =	vshrl.u32 v15, $0x1;
	(pc) =	sbr.rel @p0 .LBB2_1-.Ltmp1, $4  }
0x9b: {  	v12 =	vshrl.u32 v17, $0x1;
	v7 =	vshra.s32 v11, $0x2;
	[tilespmem:$0xC0] =	vst v5;
	v5 =	vshra.s32 v10, $0x2  }
0x9c: {  	[tilespmem:$0x100] =	vst v9;
	v9 =	vshra.s32 v6, $0x2;
	v13 =	vshrl.u32 v6, $0x1;
	v6 =	vand.u32 $0x1FFF, v12  }
0x9d: {  	v11 =	vshrl.u32 v11, $0x1;
	v12 =	vshrl.u32 v10, $0x1;
	[tilespmem:$0xF0] =	vst v8;
	v8 =	vand.u32 $0x1FFF, v13  }
0x9e: {  	v10 =	vshra.s32 v17, $0x2;
	v13 =	vshra.s32 v14, $0x2;
	v14 =	vshrl.u32 v14, $0x1  }
.LBB2_2:
0x9f: {  	v13 =	vand.u32 $0xFFFFE000, v13;
	v14 =	vand.u32 $0x1FFF, v14;
	v12 =	vand.u32 $0x1FFF, v12  }
0xa0: {  	v15 =	vld [tilespmem:$0x1B0];
	v9 =	vand.u32 $0xFFFFE000, v9;
	v11 =	vand.u32 $0x1FFF, v11;
	v7 =	vand.u32 $0xFFFFE000, v7  }
0xa1: {  	v36 =	vld [tilespmem:$0x1A0];
	v2 =	vand.u32 $0x1FFF, v2;
	v5 =	vand.u32 $0xFFFFE000, v5;
	v10 =	vand.u32 $0xFFFFE000, v10  }
0xa2: {  	v37 =	vld [tilespmem:$0x190];
	v4 =	vand.u32 $0xFFFFE000, v4;
	v0 =	vand.u32 $0xFFFFE000, v0;
	v1 =	vand.u32 $0x1FFF, v1  }
0xa3: {  	v41 =	vld [tilespmem:$0x1D0];
	v13 =	vor.u32 v14, v13;
	v8 =	vor.u32 v8, v9;
	v7 =	vor.u32 v11, v7  }
0xa4: {  	v43 =	vld [tilespmem:$0x1C0];
	v6 =	vor.u32 v6, v10;
	v16 =	vshra.s32 v3, $0x2;
	[tilespmem:$0x110] =	vst v13;
	v40 =	vshrl.u32 v3, $0x1  }
0xa5: {  	v2 =	vor.u32 v2, v4;
	[tilespmem:$0x130] =	vst v8;
	v38 =	vand.u32 $0xFFFFE000, v16;
	v3 =	vand.u32 $0x1FFF, v40  }
0xa6: {  	v5 =	vor.u32 v12, v5;
	v0 =	vor.u32 v1, v0;
	[tilespmem:$0x150] =	vst v7;
	v54 =	vor.u32 v3, v38  }
0xa7: {  	[tilespmem:$0x180] =	vst v2;
	v39 =	vshrl.u32 v15, $0x1;
	v42 =	vshra.s32 v15, $0x2;
	v44 =	vshra.s32 v37, $0x2  }
0xa8: {  	[tilespmem:$0x160] =	vst v6;
	v45 =	vshra.s32 v36, $0x2;
	v46 =	vshrl.u32 v37, $0x1;
	v49 =	vshrl.u32 v36, $0x1  }
0xa9: {  	[tilespmem:$0x140] =	vst v5;
	v52 =	vshrl.u32 v41, $0x1;
	v55 =	vshrl.u32 v43, $0x1;
	v56 =	vshra.s32 v41, $0x2  }
0xaa: {  	[tilespmem:$0x170] =	vst v0;
	v57 =	vshra.s32 v43, $0x2;
	v4 =	vand.u32 $0x1FFF, v39;
	v8 =	vand.u32 $0xFFFFE000, v42  }
0xab: {  	[tilespmem:$0x120] =	vst v54;
	v1 =	vand.u32 $0xFFFFE000, v44;
	v48 =	vand.u32 $0x1FFF, v46;
	v51 =	vor.u32 v4, v8  }
0xac: {  	v47 =	vand.u32 $0xFFFFE000, v45;
	v53 =	vand.u32 $0x1FFF, v49;
	v50 =	vor.u32 v48, v1;
	[tilespmem:$0x1B0] =	vst v51  }
0xad: {  	v60 =	vand.u32 $0x1FFF, v52;
	v61 =	vand.u32 $0xFFFFE000, v56;
	v59 =	vor.u32 v53, v47;
	[tilespmem:$0x190] =	vst v50  }
0xae: {  	v58 =	vand.u32 $0x1FFF, v55;
	v1 =	vand.u32 $0xFFFFE000, v57;
	v63 =	vor.u32 v60, v61;
	[tilespmem:$0x1A0] =	vst v59  }
0xaf: {  	v62 =	vor.u32 v58, v1;
	[tilespmem:$0x1D0] =	vst v63  }
0xb0: {  	[tilespmem:$0x1C0] =	vst v62  }
0xb1: {  	[tilespmem:s15], [sflag:$0x1] =	stream.indirect.gather [hbm4b:s9+s14], $0x80, s2, s14, $0xb8;
	[tilespmem:$0x10200] =	vst v63  }
0xb2: {  	_ = 	snop  }
0xb3: {  	[tilespmem:s12], [sflag:$0x1] =	stream.indirect.gather [hbm4b:s9+s14], $0x80, s14, s14, $0xb8;
	[tilespmem:$0x10200] =	vst v63  }
0xb4: {  	_ = 	snop  }
0xb5: {  	[tilespmem:s10], [sflag:$0x1] =	stream.indirect.gather [hbm4b:s9+s14], $0x80, s16, s14, $0xb8;
	[tilespmem:$0x10200] =	vst v63  }
0xb6: {  	_ = 	snop  }
0xb7: {  	[tilespmem:s11], [sflag:$0x1] =	stream.indirect.gather [hbm4b:s9+s14], $0x80, s17, s14, $0xb8;
	[tilespmem:$0x10200] =	vst v63  }
0xb8: {  	_ =	swait.ge [sflag:s13], $0x4000  }
0xb9: {  	[sflag:s13] =	ssyncset.done $0x0  }
0xba: {  	[sflag:s13] =	ssyncadd.s32 $0xFFFFC000  }
0xbb: {  	[hbm4b:s7+s2] =	stream.linear.scatter [tilespmem:s15], [sflag:$0x2], $0x4000, $0x38;
	[tilespmem:$0x10200] =	vst v63  }
0xbc: {  	_ =	swait.ge [sflag:s3], $0x4000  }
0xbd: {  	[sflag:s3] =	ssyncset.done $0x0  }
0xbe: {  	[sflag:s3] =	ssyncadd.s32 $0xFFFFC000  }
0xbf: {  	_ =	swait.ge [sflag:s13], $0x4000  }
0xc0: {  	[sflag:s13] =	ssyncset.done $0x0  }
0xc1: {  	[sflag:s13] =	ssyncadd.s32 $0xFFFFC000  }
0xc2: {  	[hbm4b:s8+s2] =	stream.linear.scatter [tilespmem:s12], [sflag:$0x2], $0x4000, $0x38;
	[tilespmem:$0x10200] =	vst v63  }
0xc3: {  	_ =	swait.ge [sflag:s3], $0x4000  }
0xc4: {  	[sflag:s3] =	ssyncset.done $0x0  }
0xc5: {  	[sflag:s3] =	ssyncadd.s32 $0xFFFFC000  }
0xc6: {  	_ =	swait.ge [sflag:s13], $0x4000  }
0xc7: {  	[sflag:s13] =	ssyncset.done $0x0  }
0xc8: {  	[sflag:s13] =	ssyncadd.s32 $0xFFFFC000  }
0xc9: {  	[hbm4b:s6+s2] =	stream.linear.scatter [tilespmem:s10], [sflag:$0x2], $0x4000, $0x38;
	[tilespmem:$0x10200] =	vst v63  }
0xca: {  	_ =	swait.ge [sflag:s3], $0x4000  }
0xcb: {  	[sflag:s3] =	ssyncset.done $0x0  }
0xcc: {  	[sflag:s3] =	ssyncadd.s32 $0xFFFFC000  }
0xcd: {  	_ =	swait.ge [sflag:s13], $0x4000  }
0xce: {  	[sflag:s13] =	ssyncset.done $0x0  }
0xcf: {  	[sflag:s13] =	ssyncadd.s32 $0xFFFFC000  }
0xd0: {  	[hbm4b:s5+s2] =	stream.linear.scatter [tilespmem:s11], [sflag:$0x2], $0x4000, $0x38;
	[tilespmem:$0x10200] =	vst v63  }
0xd1: {  	_ =	swait.ge [sflag:s3], $0x4000  }
0xd2: {  	[sflag:s3] =	ssyncset.done $0x0  }
0xd3: {  	[sflag:s3] =	ssyncadd.s32 $0xFFFFC000  }
0xd4: {  	_ =	sfence.sel $0x180000  }
0xd5: {  	[bflag:$0x0] =	sbarrier.arrive $0xFFFF  }
0xd6: {  	p0 =	sne.s32 s0, $0x0;
	_ =	strace $0x90000047  }
0xd7: {  	s0 =	sadd.s32 @!p0 $0x100000, s1;
	[bflag:$0x2] =	sbarrier.arrive $0xFFFF  }
0xd8: {  	[sflag:s0] =	ssyncadd.tile.s32 @!p0 $0x1;
	_ =	shalt  }
.Lfunc_end2:
_tile_overlayer_lowered:
.L_overlay_start_2:
0xd9: {  	(tag) =	ssettag $0x2  }
0xda: {  	s0 =	rddreg [dreg:$0x0];
	s2 =	stileid.u32  }
0xdb: {  	s1 =	rddreg [dreg:$0x1];
	p0 =	sne.s32 s2, $0x0  }
0xdc: {  	s3 =	rddreg [dreg:$0x2];
	[bflag:$0x3] =	sbarrier.arrive $0xFFFF;
	s2 =	simm.s32 @!p0 $0x1C02  }
0xdd: {  	[timem:s3], [sflag:s2] =	dma.local @!p0 [hbm:s0], s1  }
0xde: {  	s0 =	simm.s32 @!p0 $0x2  }
0xdf: {  	_ =	swait.ge @!p0 [sflag:s0], s1  }
0xe0: {  	s1 =	ssub.s32 @!p0 $0x0, s1;
	[sflag:s0] =	ssyncset.done @!p0 $0x0  }
0xe1: {  	[sflag:s0] =	ssyncadd.s32 @!p0 s1  }
0xe2: {  	[bflag:$0x3] =	sbarrier.arrive $0xFFFF  }
0xe3: {  	_ =	shalt  }

</sc_bundles>
